<compile_context>
chip_gen: v7x
topology: tpu7x:2x2x1
jax: 0.10.2.dev20260603
libtpu: 0.0.44.dev20260713+nightly
codegen_flags: <defaults>
</compile_context>

<pallas_src>
import functools

import jax
import jax.numpy as jnp
from jax import lax
from jax.experimental import pallas as pl
from jax.experimental.pallas import tpu as pltpu
from jax.experimental.pallas import tpu_sc as plsc


H = 128
_NW = 32
_CH = 128


def _sc_mesh():
    return plsc.VectorSubcoreMesh(core_axis_name="c", subcore_axis_name="s")


def _deg_sc(dst3, np_, nch):
    ts = np_ // 16

    @functools.partial(
        pl.kernel,
        out_type=jax.ShapeDtypeStruct((2, np_), jnp.float32),
        mesh=_sc_mesh(),
        scratch_types=[
            pltpu.VMEM((nch, _CH), jnp.int32),
            pltpu.VMEM((_CH,), jnp.float32),
            pltpu.VMEM((ts,), jnp.float32),
            pltpu.VMEM_SHARED((np_,), jnp.float32),
        ],
    )
    def body(dst_hbm, deg_hbm, dst_v, ones_v, st_v, deg_sh):
        cid = lax.axis_index("c")
        sid = lax.axis_index("s")
        wid = cid * 16 + sid

        def fill_ones(i, _):
            ones_v[pl.ds(i * 16, 16)] = jnp.ones((16,), jnp.float32)
            return 0

        lax.fori_loop(0, _CH // 16, fill_ones, 0)

        def fill_zero(i, _):
            st_v[pl.ds(i * 16, 16)] = jnp.zeros((16,), jnp.float32)
            return 0

        lax.fori_loop(0, ts // 16, fill_zero, 0)
        pltpu.sync_copy(st_v, deg_sh.at[pl.ds(sid * ts, ts)])
        plsc.subcore_barrier()

        pltpu.sync_copy(dst_hbm.at[wid], dst_v)

        def chunk(j, _):
            pltpu.sync_copy(ones_v, deg_sh.at[dst_v.at[j]], add=True)
            return 0

        lax.fori_loop(0, nch, chunk, 0)
        plsc.subcore_barrier()
        pltpu.sync_copy(deg_sh.at[pl.ds(sid * ts, ts)], st_v)
        pltpu.sync_copy(st_v, deg_hbm.at[cid, pl.ds(sid * ts, ts)])

    return body(dst3)


def _msg_sc(y, src3, dst3, np_, nch):
    ts = np_ // 16
    sb = ts // 8

    @functools.partial(
        pl.kernel,
        out_type=jax.ShapeDtypeStruct((2, np_, H), jnp.float32),
        mesh=_sc_mesh(),
        scratch_types=[
            pltpu.VMEM((nch, _CH), jnp.int32),
            pltpu.VMEM((nch, _CH), jnp.int32),
            pltpu.VMEM((_CH, H), jnp.float32),
            pltpu.VMEM((sb, H), jnp.float32),
            pltpu.VMEM_SHARED((np_, H), jnp.float32),
            pltpu.SemaphoreType.DMA,
        ],
    )
    def body(y_hbm, src_hbm, dst_hbm, acc_hbm,
             src_v, dst_v, rows_v, zb_v, acc_sh, sem):
        cid = lax.axis_index("c")
        sid = lax.axis_index("s")
        wid = cid * 16 + sid

        def zrow(i, _):
            for l in range(H // 16):
                zb_v[i, pl.ds(l * 16, 16)] = jnp.zeros((16,), jnp.float32)
            return 0

        lax.fori_loop(0, sb, zrow, 0)
        for k in range(8):
            pltpu.sync_copy(zb_v, acc_sh.at[pl.ds(sid * ts + k * sb, sb)])
        plsc.subcore_barrier()

        pltpu.sync_copy(src_hbm.at[wid], src_v)
        pltpu.sync_copy(dst_hbm.at[wid], dst_v)

        def chunk(j, _):
            pltpu.async_copy(y_hbm.at[src_v.at[j]], rows_v, sem).wait()
            pltpu.sync_copy(rows_v, acc_sh.at[dst_v.at[j]], add=True)
            return 0

        lax.fori_loop(0, nch, chunk, 0)
        plsc.subcore_barrier()
        for k in range(8):
            pltpu.sync_copy(acc_sh.at[pl.ds(sid * ts + k * sb, sb)], zb_v)
            pltpu.sync_copy(zb_v, acc_hbm.at[cid, pl.ds(sid * ts + k * sb, sb)])

    return body(y, src3, dst3)


def _y_kernel(x_ref, w_ref, deg_ref, y_ref, dinv_ref):
    deg = deg_ref[0, 0, 0, :] + deg_ref[1, 0, 0, :] + 1.0
    dinv = lax.rsqrt(deg)
    xw = jnp.dot(x_ref[...], w_ref[...], preferred_element_type=jnp.float32)
    y_ref[...] = xw * dinv[:, None]
    dinv_ref[0, 0, :] = dinv


def _compute_y(x, gcn_W, degp):
    n = x.shape[0]
    blk = 1000
    grid = n // blk
    y, dinv = pl.pallas_call(
        _y_kernel,
        grid=(grid,),
        in_specs=[
            pl.BlockSpec((blk, H), lambda i: (i, 0)),
            pl.BlockSpec((H, H), lambda i: (0, 0)),
            pl.BlockSpec((2, 1, 1, blk), lambda i: (0, i, 0, 0)),
        ],
        out_specs=[
            pl.BlockSpec((blk, H), lambda i: (i, 0)),
            pl.BlockSpec((1, 1, blk), lambda i: (i, 0, 0)),
        ],
        out_shape=[
            jax.ShapeDtypeStruct((n, H), jnp.float32),
            jax.ShapeDtypeStruct((grid, 1, blk), jnp.float32),
        ],
    )(x, gcn_W, degp[:, :n].reshape(2, grid, 1, blk))
    return y, dinv


def _g_kernel(acc_ref, y_ref, dinv_ref, gb_ref, wih_ref, b_ref, g_ref):
    dinv = dinv_ref[0, 0, :]
    acc = acc_ref[0] + acc_ref[1]
    x = dinv[:, None] * (acc + y_ref[...]) + gb_ref[...]
    g_ref[...] = (
        lax.dot_general(x, wih_ref[...], (((1,), (1,)), ((), ())),
                        preferred_element_type=jnp.float32)
        + b_ref[...]
    )


def _compute_g(acc, y, dinv, gcn_b, W_ih, b_ih, b_hh):
    n = y.shape[0]
    blk = 1000
    grid = n // blk
    return pl.pallas_call(
        _g_kernel,
        grid=(grid,),
        in_specs=[
            pl.BlockSpec((2, blk, H), lambda i: (0, i, 0)),
            pl.BlockSpec((blk, H), lambda i: (i, 0)),
            pl.BlockSpec((1, 1, blk), lambda i: (i, 0, 0)),
            pl.BlockSpec((1, H), lambda i: (0, 0)),
            pl.BlockSpec((4 * H, H), lambda i: (0, 0)),
            pl.BlockSpec((1, 4 * H), lambda i: (0, 0)),
        ],
        out_specs=pl.BlockSpec((blk, 4 * H), lambda i: (i, 0)),
        out_shape=jax.ShapeDtypeStruct((n, 4 * H), jnp.float32),
    )(acc, y, dinv, gcn_b.reshape(1, H), W_ih,
      (b_ih + b_hh).reshape(1, 4 * H))


def _lstm_kernel(g_ref, whht_ref, h0_ref, c0_ref,
                 ys_ref, hn_ref, cn_ref, h_s, c_s, *, nblk):
    t = pl.program_id(0)

    @pl.when(t == 0)
    def _():
        h_s[...] = h0_ref[...]
        c_s[...] = c0_ref[...]

    whht = whht_ref[...]

    def sig(x):
        return 0.5 * jnp.tanh(x * 0.5) + 0.5

    def blk_step(j, carry):
        h, c = carry
        gblk = g_ref[j]
        rows = []
        for k in range(8):
            g = gblk[k:k + 1, :] + jnp.dot(
                h, whht, preferred_element_type=jnp.float32)
            ii = sig(g[:, :H])
            ff = sig(g[:, H:2 * H])
            gg = jnp.tanh(g[:, 2 * H:3 * H])
            oo = sig(g[:, 3 * H:])
            c = ff * c + ii * gg
            h = oo * jnp.tanh(c)
            rows.append(h)
        ys_ref[j] = jnp.concatenate(rows, axis=0)
        return h, c

    h, c = lax.fori_loop(0, nblk, blk_step, (h_s[...], c_s[...]))
    h_s[...] = h
    c_s[...] = c
    hn_ref[...] = h
    cn_ref[...] = c


def _run_lstm(G, W_hh_T, h0, c0):
    n = G.shape[0]
    chunk = 1000
    grid = n // chunk
    nblk = chunk // 8
    G8 = G.reshape(n // 8, 8, 4 * H)
    ys, hn, cn = pl.pallas_call(
        functools.partial(_lstm_kernel, nblk=nblk),
        grid=(grid,),
        in_specs=[
            pl.BlockSpec((nblk, 8, 4 * H), lambda i: (i, 0, 0)),
            pl.BlockSpec((H, 4 * H), lambda i: (0, 0)),
            pl.BlockSpec((1, H), lambda i: (0, 0)),
            pl.BlockSpec((1, H), lambda i: (0, 0)),
        ],
        out_specs=[
            pl.BlockSpec((nblk, 8, H), lambda i: (i, 0, 0)),
            pl.BlockSpec((1, H), lambda i: (0, 0)),
            pl.BlockSpec((1, H), lambda i: (0, 0)),
        ],
        out_shape=[
            jax.ShapeDtypeStruct((n // 8, 8, H), jnp.float32),
            jax.ShapeDtypeStruct((1, H), jnp.float32),
            jax.ShapeDtypeStruct((1, H), jnp.float32),
        ],
        scratch_shapes=[
            pltpu.VMEM((1, H), jnp.float32),
            pltpu.VMEM((1, H), jnp.float32),
        ],
    )(G8, W_hh_T, h0, c0)
    return ys.reshape(n, H), hn, cn


def kernel(basic_block, edge_index, h0, c0, gcn_W, gcn_b,
           W_ih, W_hh, b_ih, b_hh):
    n = basic_block.shape[0]
    e = edge_index.shape[1]
    nch = -(-e // (_NW * _CH))
    ep = _NW * nch * _CH
    np_ = -(-n // 256) * 256
    pad = ep - e
    src3 = jnp.concatenate(
        [edge_index[0], jnp.zeros((pad,), edge_index.dtype)]
    ).reshape(_NW, nch, _CH)
    dst3 = jnp.concatenate(
        [edge_index[1], jnp.full((pad,), n, edge_index.dtype)]
    ).reshape(_NW, nch, _CH)

    degp = _deg_sc(dst3, np_, nch)
    y, dinv = _compute_y(basic_block, gcn_W, degp)
    accp = _msg_sc(y, src3, dst3, np_, nch)
    G = _compute_g(accp[:, :n], y, dinv, gcn_b, W_ih, b_ih, b_hh)
    ys, hn, cn = _run_lstm(G, W_hh.T, h0, c0)
    return ys, hn, cn

# --- scband reference (transcript-rebuilt; emitter-appended) ---
"""Pipeline reference for scband-encoder-31155692765375 (READ-ONLY COPY).

The authoritative reference and input builder live on the scoring server;
editing this copy changes nothing except your own understanding.
"""

import jax, jax.numpy as jnp
import numpy as np

N = 10000
E = 320000
D_IN = 128
H = 128


def setup_inputs(seed: int = 0):
    key = jax.random.key(seed)
    ks = jax.random.split(key, 8)
    basic_block = jax.random.normal(ks[0], (N, D_IN), dtype=jnp.float32)
    edge_index = jax.random.randint(ks[1], (2, E), 0, N, dtype=jnp.int32)
    h0 = jnp.zeros((1, H), dtype=jnp.float32)
    c0 = jnp.zeros((1, H), dtype=jnp.float32)
    s_g = 1.0 / np.sqrt(D_IN)
    gcn_W = jax.random.uniform(ks[2], (D_IN, H), minval=-s_g, maxval=s_g, dtype=jnp.float32)
    gcn_b = jax.random.uniform(ks[3], (H,), minval=-s_g, maxval=s_g, dtype=jnp.float32)
    s_l = 1.0 / np.sqrt(H)
    W_ih = jax.random.uniform(ks[4], (4 * H, H), minval=-s_l, maxval=s_l, dtype=jnp.float32)
    W_hh = jax.random.uniform(ks[5], (4 * H, H), minval=-s_l, maxval=s_l, dtype=jnp.float32)
    b_ih = jax.random.uniform(ks[6], (4 * H,), minval=-s_l, maxval=s_l, dtype=jnp.float32)
    b_hh = jax.random.uniform(ks[7], (4 * H,), minval=-s_l, maxval=s_l, dtype=jnp.float32)
    return {"basic_block": basic_block, "edge_index": edge_index, "h0": h0, "c0": c0,
            "gcn_W": gcn_W, "gcn_b": gcn_b, "W_ih": W_ih, "W_hh": W_hh, "b_ih": b_ih, "b_hh": b_hh}


def _gcn(x, edge_index, gcn_W, gcn_b):
    # add_self_loops in forward; GCNConv's gcn_norm (add_remaining_self_loops) adds nothing more
    n = x.shape[0]
    loop = jnp.arange(n, dtype=edge_index.dtype)
    src = jnp.concatenate([edge_index[0], loop])
    dst = jnp.concatenate([edge_index[1], loop])
    deg = jax.ops.segment_sum(jnp.ones_like(src, dtype=x.dtype), dst, num_segments=n)
    dinv = jnp.where(deg > 0, jax.lax.rsqrt(jnp.maximum(deg, 1e-12)), 0.0)
    norm = dinv[src] * dinv[dst]
    xw = x @ gcn_W
    msg = xw[src] * norm[:, None]
    out = jax.ops.segment_sum(msg, dst, num_segments=n)
    return out + gcn_b


def _lstm(x, h0, c0, W_ih, W_hh, b_ih, b_hh):
    # unbatched torch LSTM: x is (seq_len, input_size), hidden is (1, H)
    Hs = h0.shape[-1]

    def step(carry, x_t):
        h, c = carry
        gates = W_ih @ x_t + W_hh @ h + b_ih + b_hh
        i = jax.nn.sigmoid(gates[:Hs])
        f = jax.nn.sigmoid(gates[Hs:2 * Hs])
        g = jnp.tanh(gates[2 * Hs:3 * Hs])
        o = jax.nn.sigmoid(gates[3 * Hs:])
        c_new = f * c + i * g
        h_new = o * jnp.tanh(c_new)
        return (h_new, c_new), h_new

    (hN, cN), ys = jax.lax.scan(step, (h0[0], c0[0]), x)
    return ys, hN[None, :], cN[None, :]


def reference(basic_block, edge_index, h0, c0, gcn_W, gcn_b, W_ih, W_hh, b_ih, b_hh):
    x = _gcn(basic_block, edge_index, gcn_W, gcn_b)
    output, hN, cN = _lstm(x, h0, c0, W_ih, W_hh, b_ih, b_hh)
    return (output, hN, cN)

if __name__ == "__main__":
    import jax
    _d = setup_inputs()
    print(jax.jit(kernel)(*tuple(_d.values())))

</pallas_src>

<mosaic_0001>
#map = affine_map<(d0, d1) -> (0, 0, 0)>
#map1 = affine_map<(d0, d1) -> (0, 0)>
module attributes {stable_mosaic.version = 14 : i64} {
  func.func @body(%arg0: i32, %arg1: i32, %arg2: memref<32x79x128xi32, #tpu.memory_space<hbm>>, %arg3: memref<2x10240xf32, #tpu.memory_space<hbm>>, %arg4: memref<79x128xi32, #tpu.memory_space<vmem>>, %arg5: memref<128xf32, #tpu.memory_space<vmem>>, %arg6: memref<640xf32, #tpu.memory_space<vmem>>, %arg7: memref<10240xf32, #tpu.memory_space<vmem_shared>>) attributes {dimension_semantics = [#tpu.dimension_semantics<core_parallel>, #tpu.dimension_semantics<subcore_parallel>], iteration_bounds = array<i64: 2, 16>, scalar_prefetch = 0 : i64, scratch_operands = 4 : i64, tpu.core_type = #tpu.core_type<sc_vector_subcore>, window_params = [{transform_indices = #map}, {transform_indices = #map1}]} {
    %mul3A = arith.constant 16 : i32
    %mul3A_0 = arith.muli %arg0, %mul3A : i32
    %add3A = arith.addi %mul3A_0, %arg1 : i32
    %scan3A = arith.constant 0 : i32
    %scan3A_1 = arith.constant 0 : i32
    %scan3A_2 = arith.constant 8 : i32
    %scan3A_3 = arith.addi %scan3A_1, %scan3A_2 : i32
    %scan3A_4 = arith.constant 1 : i32
    %scan3A_5 = scf.for %scan3A_28 = %scan3A_1 to %scan3A_3 step %scan3A_4 iter_args(%scan3A_29 = %scan3A) -> (i32)  : i32 {
      %broadcast_in_dim3A = arith.constant 1.000000e+00 : f32
      %broadcast_in_dim3A_30 = vector.broadcast %broadcast_in_dim3A : f32 to vector<16xf32>
      %mul3A_31 = arith.constant 16 : i32
      %mul3A_32 = arith.muli %scan3A_28, %mul3A_31 : i32
      %swap3A = arith.index_cast %mul3A_32 : i32 to index
      %swap3A_33 = tpu.vector_load %arg5[%swap3A] {strides = array<i32>} : memref<128xf32, #tpu.memory_space<vmem>>, vector<16xf32>,
      %swap3A_34 = vector.shape_cast %swap3A_33 : vector<16xf32> to vector<16xf32>
      %swap3A_35 = vector.shape_cast %broadcast_in_dim3A_30 : vector<16xf32> to vector<16xf32>
      tpu.vector_store %arg5[%swap3A], %swap3A_35 {strides = array<i32>} : memref<128xf32, #tpu.memory_space<vmem>>, vector<16xf32>,
      %scan3A_36 = arith.constant 0 : i32
      scf.yield %scan3A_36 : i32
    }
    %scan3A_6 = arith.constant 8 : i32
    %scan3A_7 = arith.constant 0 : i32
    %scan3A_8 = arith.constant 0 : i32
    %scan3A_9 = arith.constant 40 : i32
    %scan3A_10 = arith.addi %scan3A_8, %scan3A_9 : i32
    %scan3A_11 = arith.constant 1 : i32
    %scan3A_12 = scf.for %scan3A_28 = %scan3A_8 to %scan3A_10 step %scan3A_11 iter_args(%scan3A_29 = %scan3A_7) -> (i32)  : i32 {
      %broadcast_in_dim3A = arith.constant 0.000000e+00 : f32
      %broadcast_in_dim3A_30 = vector.broadcast %broadcast_in_dim3A : f32 to vector<16xf32>
      %mul3A_31 = arith.constant 16 : i32
      %mul3A_32 = arith.muli %scan3A_28, %mul3A_31 : i32
      %swap3A = arith.index_cast %mul3A_32 : i32 to index
      %swap3A_33 = tpu.vector_load %arg6[%swap3A] {strides = array<i32>} : memref<640xf32, #tpu.memory_space<vmem>>, vector<16xf32>,
      %swap3A_34 = vector.shape_cast %swap3A_33 : vector<16xf32> to vector<16xf32>
      %swap3A_35 = vector.shape_cast %broadcast_in_dim3A_30 : vector<16xf32> to vector<16xf32>
      tpu.vector_store %arg6[%swap3A], %swap3A_35 {strides = array<i32>} : memref<640xf32, #tpu.memory_space<vmem>>, vector<16xf32>,
      %scan3A_36 = arith.constant 0 : i32
      scf.yield %scan3A_36 : i32
    }
    %scan3A_13 = arith.constant 40 : i32
    %mul3A_14 = arith.constant 640 : i32
    %mul3A_15 = arith.muli %arg1, %mul3A_14 : i32
    "tpu.region"() ({
      %run_scoped3A = tpu.sem_alloc : memref<!tpu.dma_semaphore, #tpu.memory_space<semaphore_mem>>
      %dma_start3A = tpu.memref_slice %arg7[%mul3A_15] : memref<10240xf32, #tpu.memory_space<vmem_shared>> -> memref<640xf32, #tpu.memory_space<vmem_shared>>
      %dma_start3A_28 = tpu.memref_slice %arg7[%mul3A_15] : memref<10240xf32, #tpu.memory_space<vmem_shared>> -> memref<640xf32, #tpu.memory_space<vmem_shared>>
      tpu.enqueue_dma source(%arg6 : memref<640xf32, #tpu.memory_space<vmem>>) target(%dma_start3A_28 : memref<640xf32, #tpu.memory_space<vmem_shared>>) target_semaphore(%run_scoped3A : memref<!tpu.dma_semaphore, #tpu.memory_space<semaphore_mem>>)
      %dma_wait3A = tpu.memref_slice %arg7[%mul3A_15] : memref<10240xf32, #tpu.memory_space<vmem_shared>> -> memref<640xf32, #tpu.memory_space<vmem_shared>>
      %dma_wait3A_29 = tpu.memref_slice %arg7[%mul3A_15] : memref<10240xf32, #tpu.memory_space<vmem_shared>> -> memref<640xf32, #tpu.memory_space<vmem_shared>>
      tpu.wait_dma2 semaphore(%run_scoped3A : memref<!tpu.dma_semaphore, #tpu.memory_space<semaphore_mem>>) src(%arg6 : memref<640xf32, #tpu.memory_space<vmem>>) dst(%dma_wait3A_29 : memref<640xf32, #tpu.memory_space<vmem_shared>>)
      tpu.yield
    }) : () -> ()
    %barrier3A = arith.constant 0 : index
    tpu.barrier barrier_id(%barrier3A)
    "tpu.region"() ({
      %run_scoped3A = tpu.sem_alloc : memref<!tpu.dma_semaphore, #tpu.memory_space<semaphore_mem>>
      %dma_start3A = arith.constant 0 : i32
      %dma_start3A_28 = arith.constant 0 : i32
      %dma_start3A_29 = tpu.memref_slice %arg2[%add3A, %dma_start3A, %dma_start3A_28] : memref<32x79x128xi32, #tpu.memory_space<hbm>> -> memref<1x79x128xi32, #tpu.memory_space<hbm>>
      %dma_start3A_30 = tpu.memref_squeeze %dma_start3A_29 : memref<1x79x128xi32, #tpu.memory_space<hbm>> -> memref<79x128xi32, #tpu.memory_space<hbm>>
      %dma_start3A_31 = arith.constant 0 : i32
      %dma_start3A_32 = arith.constant 0 : i32
      %dma_start3A_33 = tpu.memref_slice %arg2[%add3A, %dma_start3A_31, %dma_start3A_32] : memref<32x79x128xi32, #tpu.memory_space<hbm>> -> memref<1x79x128xi32, #tpu.memory_space<hbm>>
      %dma_start3A_34 = tpu.memref_squeeze %dma_start3A_33 : memref<1x79x128xi32, #tpu.memory_space<hbm>> -> memref<79x128xi32, #tpu.memory_space<hbm>>
      tpu.enqueue_dma source(%dma_start3A_34 : memref<79x128xi32, #tpu.memory_space<hbm>>) target(%arg4 : memref<79x128xi32, #tpu.memory_space<vmem>>) target_semaphore(%run_scoped3A : memref<!tpu.dma_semaphore, #tpu.memory_space<semaphore_mem>>)
      %dma_wait3A = arith.constant 0 : i32
      %dma_wait3A_35 = arith.constant 0 : i32
      %dma_wait3A_36 = tpu.memref_slice %arg2[%add3A, %dma_wait3A, %dma_wait3A_35] : memref<32x79x128xi32, #tpu.memory_space<hbm>> -> memref<1x79x128xi32, #tpu.memory_space<hbm>>
      %dma_wait3A_37 = tpu.memref_squeeze %dma_wait3A_36 : memref<1x79x128xi32, #tpu.memory_space<hbm>> -> memref<79x128xi32, #tpu.memory_space<hbm>>
      %dma_wait3A_38 = arith.constant 0 : i32
      %dma_wait3A_39 = arith.constant 0 : i32
      %dma_wait3A_40 = tpu.memref_slice %arg2[%add3A, %dma_wait3A_38, %dma_wait3A_39] : memref<32x79x128xi32, #tpu.memory_space<hbm>> -> memref<1x79x128xi32, #tpu.memory_space<hbm>>
      %dma_wait3A_41 = tpu.memref_squeeze %dma_wait3A_40 : memref<1x79x128xi32, #tpu.memory_space<hbm>> -> memref<79x128xi32, #tpu.memory_space<hbm>>
      tpu.wait_dma2 semaphore(%run_scoped3A : memref<!tpu.dma_semaphore, #tpu.memory_space<semaphore_mem>>) src(%dma_wait3A_41 : memref<79x128xi32, #tpu.memory_space<hbm>>) dst(%arg4 : memref<79x128xi32, #tpu.memory_space<vmem>>)
      tpu.yield
    }) : () -> ()
    %scan3A_16 = arith.constant 0 : i32
    %scan3A_17 = arith.constant 0 : i32
    %scan3A_18 = arith.constant 79 : i32
    %scan3A_19 = arith.addi %scan3A_17, %scan3A_18 : i32
    %scan3A_20 = arith.constant 1 : i32
    %scan3A_21 = scf.for %scan3A_28 = %scan3A_17 to %scan3A_19 step %scan3A_20 iter_args(%scan3A_29 = %scan3A_16) -> (i32)  : i32 {
      "tpu.region"() ({
        %run_scoped3A = tpu.sem_alloc : memref<!tpu.dma_semaphore, #tpu.memory_space<semaphore_mem>>
        %dma_start3A = arith.constant 0 : i32
        %dma_start3A_31 = tpu.memref_slice %arg4[%scan3A_28, %dma_start3A] : memref<79x128xi32, #tpu.memory_space<vmem>> -> memref<1x128xi32, #tpu.memory_space<vmem>>
        %dma_start3A_32 = tpu.memref_squeeze %dma_start3A_31 : memref<1x128xi32, #tpu.memory_space<vmem>> -> memref<128xi32, #tpu.memory_space<vmem>>
        %dma_start3A_33 = arith.constant 0 : i32
        %dma_start3A_34 = tpu.memref_slice %arg7[%dma_start3A_33] : memref<10240xf32, #tpu.memory_space<vmem_shared>> -> memref<10240xf32, #tpu.memory_space<vmem_shared>>
        tpu.enqueue_indirect_dma source(%arg5 : memref<128xf32, #tpu.memory_space<vmem>>) target(%dma_start3A_34 : memref<10240xf32, #tpu.memory_space<vmem_shared>>) offsets(%dma_start3A_32 : memref<128xi32, #tpu.memory_space<vmem>>) semaphore(%run_scoped3A : memref<!tpu.dma_semaphore, #tpu.memory_space<semaphore_mem>>) {add = true}
        %dma_wait3A = arith.constant 0 : i32
        %dma_wait3A_35 = tpu.memref_slice %arg4[%scan3A_28, %dma_wait3A] : memref<79x128xi32, #tpu.memory_space<vmem>> -> memref<1x128xi32, #tpu.memory_space<vmem>>
        %dma_wait3A_36 = tpu.memref_squeeze %dma_wait3A_35 : memref<1x128xi32, #tpu.memory_space<vmem>> -> memref<128xi32, #tpu.memory_space<vmem>>
        %dma_wait3A_37 = arith.constant 0 : i32
        %dma_wait3A_38 = tpu.memref_slice %arg7[%dma_wait3A_37] : memref<10240xf32, #tpu.memory_space<vmem_shared>> -> memref<10240xf32, #tpu.memory_space<vmem_shared>>
        tpu.wait_indirect_dma semaphore(%run_scoped3A : memref<!tpu.dma_semaphore, #tpu.memory_space<semaphore_mem>>) src(%arg5 : memref<128xf32, #tpu.memory_space<vmem>>) dst(%dma_wait3A_38 : memref<10240xf32, #tpu.memory_space<vmem_shared>>)
        tpu.yield
      }) : () -> ()
      %scan3A_30 = arith.constant 0 : i32
      scf.yield %scan3A_30 : i32
    }
    %scan3A_22 = arith.constant 79 : i32
    %barrier3A_23 = arith.constant 0 : index
    tpu.barrier barrier_id(%barrier3A_23)
    %mul3A_24 = arith.constant 640 : i32
    %mul3A_25 = arith.muli %arg1, %mul3A_24 : i32
    "tpu.region"() ({
      %run_scoped3A = tpu.sem_alloc : memref<!tpu.dma_semaphore, #tpu.memory_space<semaphore_mem>>
      %dma_start3A = tpu.memref_slice %arg7[%mul3A_25] : memref<10240xf32, #tpu.memory_space<vmem_shared>> -> memref<640xf32, #tpu.memory_space<vmem_shared>>
      %dma_start3A_28 = tpu.memref_slice %arg7[%mul3A_25] : memref<10240xf32, #tpu.memory_space<vmem_shared>> -> memref<640xf32, #tpu.memory_space<vmem_shared>>
      tpu.enqueue_dma source(%dma_start3A_28 : memref<640xf32, #tpu.memory_space<vmem_shared>>) target(%arg6 : memref<640xf32, #tpu.memory_space<vmem>>) target_semaphore(%run_scoped3A : memref<!tpu.dma_semaphore, #tpu.memory_space<semaphore_mem>>)
      %dma_wait3A = tpu.memref_slice %arg7[%mul3A_25] : memref<10240xf32, #tpu.memory_space<vmem_shared>> -> memref<640xf32, #tpu.memory_space<vmem_shared>>
      %dma_wait3A_29 = tpu.memref_slice %arg7[%mul3A_25] : memref<10240xf32, #tpu.memory_space<vmem_shared>> -> memref<640xf32, #tpu.memory_space<vmem_shared>>
      tpu.wait_dma2 semaphore(%run_scoped3A : memref<!tpu.dma_semaphore, #tpu.memory_space<semaphore_mem>>) src(%dma_wait3A_29 : memref<640xf32, #tpu.memory_space<vmem_shared>>) dst(%arg6 : memref<640xf32, #tpu.memory_space<vmem>>)
      tpu.yield
    }) : () -> ()
    %mul3A_26 = arith.constant 640 : i32
    %mul3A_27 = arith.muli %arg1, %mul3A_26 : i32
    "tpu.region"() ({
      %run_scoped3A = tpu.sem_alloc : memref<!tpu.dma_semaphore, #tpu.memory_space<semaphore_mem>>
      %dma_start3A = tpu.memref_slice %arg3[%arg0, %mul3A_27] : memref<2x10240xf32, #tpu.memory_space<hbm>> -> memref<1x640xf32, #tpu.memory_space<hbm>>
      %dma_start3A_28 = tpu.memref_squeeze %dma_start3A : memref<1x640xf32, #tpu.memory_space<hbm>> -> memref<640xf32, #tpu.memory_space<hbm>>
      %dma_start3A_29 = tpu.memref_slice %arg3[%arg0, %mul3A_27] : memref<2x10240xf32, #tpu.memory_space<hbm>> -> memref<1x640xf32, #tpu.memory_space<hbm>>
      %dma_start3A_30 = tpu.memref_squeeze %dma_start3A_29 : memref<1x640xf32, #tpu.memory_space<hbm>> -> memref<640xf32, #tpu.memory_space<hbm>>
      tpu.enqueue_dma source(%arg6 : memref<640xf32, #tpu.memory_space<vmem>>) target(%dma_start3A_30 : memref<640xf32, #tpu.memory_space<hbm>>) target_semaphore(%run_scoped3A : memref<!tpu.dma_semaphore, #tpu.memory_space<semaphore_mem>>)
      %dma_wait3A = tpu.memref_slice %arg3[%arg0, %mul3A_27] : memref<2x10240xf32, #tpu.memory_space<hbm>> -> memref<1x640xf32, #tpu.memory_space<hbm>>
      %dma_wait3A_31 = tpu.memref_squeeze %dma_wait3A : memref<1x640xf32, #tpu.memory_space<hbm>> -> memref<640xf32, #tpu.memory_space<hbm>>
      %dma_wait3A_32 = tpu.memref_slice %arg3[%arg0, %mul3A_27] : memref<2x10240xf32, #tpu.memory_space<hbm>> -> memref<1x640xf32, #tpu.memory_space<hbm>>
      %dma_wait3A_33 = tpu.memref_squeeze %dma_wait3A_32 : memref<1x640xf32, #tpu.memory_space<hbm>> -> memref<640xf32, #tpu.memory_space<hbm>>
      tpu.wait_dma2 semaphore(%run_scoped3A : memref<!tpu.dma_semaphore, #tpu.memory_space<semaphore_mem>>) src(%arg6 : memref<640xf32, #tpu.memory_space<vmem>>) dst(%dma_wait3A_33 : memref<640xf32, #tpu.memory_space<hbm>>)
      tpu.yield
    }) : () -> ()
    return
  }
}

#map = affine_map<(d0, d1) -> (0, 0)>
#map1 = affine_map<(d0, d1) -> (0, 0, 0)>
module attributes {stable_mosaic.version = 14 : i64} {
  func.func @body(%arg0: i32, %arg1: i32, %arg2: memref<10000x128xf32, #tpu.memory_space<hbm>>, %arg3: memref<32x79x128xi32, #tpu.memory_space<hbm>>, %arg4: memref<32x79x128xi32, #tpu.memory_space<hbm>>, %arg5: memref<2x10240x128xf32, #tpu.memory_space<hbm>>, %arg6: memref<79x128xi32, #tpu.memory_space<vmem>>, %arg7: memref<79x128xi32, #tpu.memory_space<vmem>>, %arg8: memref<128x128xf32, #tpu.memory_space<vmem>>, %arg9: memref<80x128xf32, #tpu.memory_space<vmem>>, %arg10: memref<10240x128xf32, #tpu.memory_space<vmem_shared>>, %arg11: memref<!tpu.dma_semaphore, #tpu.memory_space<semaphore_mem>>) attributes {dimension_semantics = [#tpu.dimension_semantics<core_parallel>, #tpu.dimension_semantics<subcore_parallel>], iteration_bounds = array<i64: 2, 16>, scalar_prefetch = 0 : i64, scratch_operands = 6 : i64, tpu.core_type = #tpu.core_type<sc_vector_subcore>, window_params = [{transform_indices = #map}, {transform_indices = #map1}, {transform_indices = #map1}, {transform_indices = #map1}]} {
    %mul3A = arith.constant 16 : i32
    %mul3A_0 = arith.muli %arg0, %mul3A : i32
    %add3A = arith.addi %mul3A_0, %arg1 : i32
    %scan3A = arith.constant 0 : i32
    %scan3A_1 = arith.constant 0 : i32
    %scan3A_2 = arith.constant 80 : i32
    %scan3A_3 = arith.addi %scan3A_1, %scan3A_2 : i32
    %scan3A_4 = arith.constant 1 : i32
    %scan3A_5 = scf.for %scan3A_111 = %scan3A_1 to %scan3A_3 step %scan3A_4 iter_args(%scan3A_112 = %scan3A) -> (i32)  : i32 {
      %broadcast_in_dim3A = arith.constant 0.000000e+00 : f32
      %broadcast_in_dim3A_113 = vector.broadcast %broadcast_in_dim3A : f32 to vector<16xf32>
      %swap3A = arith.index_cast %scan3A_111 : i32 to index
      %swap3A_114 = arith.constant 0 : index
      %swap3A_115 = tpu.vector_load %arg9[%swap3A, %swap3A_114] {strides = array<i32>} : memref<80x128xf32, #tpu.memory_space<vmem>>, vector<1x16xf32>,
      %swap3A_116 = vector.shape_cast %swap3A_115 : vector<1x16xf32> to vector<16xf32>
      %swap3A_117 = vector.shape_cast %broadcast_in_dim3A_113 : vector<16xf32> to vector<1x16xf32>
      tpu.vector_store %arg9[%swap3A, %swap3A_114], %swap3A_117 {strides = array<i32>} : memref<80x128xf32, #tpu.memory_space<vmem>>, vector<1x16xf32>,
      %broadcast_in_dim3A_118 = arith.constant 0.000000e+00 : f32
      %broadcast_in_dim3A_119 = vector.broadcast %broadcast_in_dim3A_118 : f32 to vector<16xf32>
      %swap3A_120 = arith.index_cast %scan3A_111 : i32 to index
      %swap3A_121 = arith.constant 16 : index
      %swap3A_122 = tpu.vector_load %arg9[%swap3A_120, %swap3A_121] {strides = array<i32>} : memref<80x128xf32, #tpu.memory_space<vmem>>, vector<1x16xf32>,
      %swap3A_123 = vector.shape_cast %swap3A_122 : vector<1x16xf32> to vector<16xf32>
      %swap3A_124 = vector.shape_cast %broadcast_in_dim3A_119 : vector<16xf32> to vector<1x16xf32>
      tpu.vector_store %arg9[%swap3A_120, %swap3A_121], %swap3A_124 {strides = array<i32>} : memref<80x128xf32, #tpu.memory_space<vmem>>, vector<1x16xf32>,
      %broadcast_in_dim3A_125 = arith.constant 0.000000e+00 : f32
      %broadcast_in_dim3A_126 = vector.broadcast %broadcast_in_dim3A_125 : f32 to vector<16xf32>
      %swap3A_127 = arith.index_cast %scan3A_111 : i32 to index
      %swap3A_128 = arith.constant 32 : index
      %swap3A_129 = tpu.vector_load %arg9[%swap3A_127, %swap3A_128] {strides = array<i32>} : memref<80x128xf32, #tpu.memory_space<vmem>>, vector<1x16xf32>,
      %swap3A_130 = vector.shape_cast %swap3A_129 : vector<1x16xf32> to vector<16xf32>
      %swap3A_131 = vector.shape_cast %broadcast_in_dim3A_126 : vector<16xf32> to vector<1x16xf32>
      tpu.vector_store %arg9[%swap3A_127, %swap3A_128], %swap3A_131 {strides = array<i32>} : memref<80x128xf32, #tpu.memory_space<vmem>>, vector<1x16xf32>,
      %broadcast_in_dim3A_132 = arith.constant 0.000000e+00 : f32
      %broadcast_in_dim3A_133 = vector.broadcast %broadcast_in_dim3A_132 : f32 to vector<16xf32>
      %swap3A_134 = arith.index_cast %scan3A_111 : i32 to index
      %swap3A_135 = arith.constant 48 : index
      %swap3A_136 = tpu.vector_load %arg9[%swap3A_134, %swap3A_135] {strides = array<i32>} : memref<80x128xf32, #tpu.memory_space<vmem>>, vector<1x16xf32>,
      %swap3A_137 = vector.shape_cast %swap3A_136 : vector<1x16xf32> to vector<16xf32>
      %swap3A_138 = vector.shape_cast %broadcast_in_dim3A_133 : vector<16xf32> to vector<1x16xf32>
      tpu.vector_store %arg9[%swap3A_134, %swap3A_135], %swap3A_138 {strides = array<i32>} : memref<80x128xf32, #tpu.memory_space<vmem>>, vector<1x16xf32>,
      %broadcast_in_dim3A_139 = arith.constant 0.000000e+00 : f32
      %broadcast_in_dim3A_140 = vector.broadcast %broadcast_in_dim3A_139 : f32 to vector<16xf32>
      %swap3A_141 = arith.index_cast %scan3A_111 : i32 to index
      %swap3A_142 = arith.constant 64 : index
      %swap3A_143 = tpu.vector_load %arg9[%swap3A_141, %swap3A_142] {strides = array<i32>} : memref<80x128xf32, #tpu.memory_space<vmem>>, vector<1x16xf32>,
      %swap3A_144 = vector.shape_cast %swap3A_143 : vector<1x16xf32> to vector<16xf32>
      %swap3A_145 = vector.shape_cast %broadcast_in_dim3A_140 : vector<16xf32> to vector<1x16xf32>
      tpu.vector_store %arg9[%swap3A_141, %swap3A_142], %swap3A_145 {strides = array<i32>} : memref<80x128xf32, #tpu.memory_space<vmem>>, vector<1x16xf32>,
      %broadcast_in_dim3A_146 = arith.constant 0.000000e+00 : f32
      %broadcast_in_dim3A_147 = vector.broadcast %broadcast_in_dim3A_146 : f32 to vector<16xf32>
      %swap3A_148 = arith.index_cast %scan3A_111 : i32 to index
      %swap3A_149 = arith.constant 80 : index
      %swap3A_150 = tpu.vector_load %arg9[%swap3A_148, %swap3A_149] {strides = array<i32>} : memref<80x128xf32, #tpu.memory_space<vmem>>, vector<1x16xf32>,
      %swap3A_151 = vector.shape_cast %swap3A_150 : vector<1x16xf32> to vector<16xf32>
      %swap3A_152 = vector.shape_cast %broadcast_in_dim3A_147 : vector<16xf32> to vector<1x16xf32>
      tpu.vector_store %arg9[%swap3A_148, %swap3A_149], %swap3A_152 {strides = array<i32>} : memref<80x128xf32, #tpu.memory_space<vmem>>, vector<1x16xf32>,
      %broadcast_in_dim3A_153 = arith.constant 0.000000e+00 : f32
      %broadcast_in_dim3A_154 = vector.broadcast %broadcast_in_dim3A_153 : f32 to vector<16xf32>
      %swap3A_155 = arith.index_cast %scan3A_111 : i32 to index
      %swap3A_156 = arith.constant 96 : index
      %swap3A_157 = tpu.vector_load %arg9[%swap3A_155, %swap3A_156] {strides = array<i32>} : memref<80x128xf32, #tpu.memory_space<vmem>>, vector<1x16xf32>,
      %swap3A_158 = vector.shape_cast %swap3A_157 : vector<1x16xf32> to vector<16xf32>
      %swap3A_159 = vector.shape_cast %broadcast_in_dim3A_154 : vector<16xf32> to vector<1x16xf32>
      tpu.vector_store %arg9[%swap3A_155, %swap3A_156], %swap3A_159 {strides = array<i32>} : memref<80x128xf32, #tpu.memory_space<vmem>>, vector<1x16xf32>,
      %broadcast_in_dim3A_160 = arith.constant 0.000000e+00 : f32
      %broadcast_in_dim3A_161 = vector.broadcast %broadcast_in_dim3A_160 : f32 to vector<16xf32>
      %swap3A_162 = arith.index_cast %scan3A_111 : i32 to index
      %swap3A_163 = arith.constant 112 : index
      %swap3A_164 = tpu.vector_load %arg9[%swap3A_162, %swap3A_163] {strides = array<i32>} : memref<80x128xf32, #tpu.memory_space<vmem>>, vector<1x16xf32>,
      %swap3A_165 = vector.shape_cast %swap3A_164 : vector<1x16xf32> to vector<16xf32>
      %swap3A_166 = vector.shape_cast %broadcast_in_dim3A_161 : vector<16xf32> to vector<1x16xf32>
      tpu.vector_store %arg9[%swap3A_162, %swap3A_163], %swap3A_166 {strides = array<i32>} : memref<80x128xf32, #tpu.memory_space<vmem>>, vector<1x16xf32>,
      %scan3A_167 = arith.constant 0 : i32
      scf.yield %scan3A_167 : i32
    }
    %scan3A_6 = arith.constant 80 : i32
    %mul3A_7 = arith.constant 640 : i32
    %mul3A_8 = arith.muli %arg1, %mul3A_7 : i32
    %add3A_9 = arith.constant 0 : i32
    %add3A_10 = arith.addi %mul3A_8, %add3A_9 : i32
    "tpu.region"() ({
      %run_scoped3A = tpu.sem_alloc : memref<!tpu.dma_semaphore, #tpu.memory_space<semaphore_mem>>
      %dma_start3A = arith.constant 0 : i32
      %dma_start3A_111 = tpu.memref_slice %arg10[%add3A_10, %dma_start3A] : memref<10240x128xf32, #tpu.memory_space<vmem_shared>> -> memref<80x128xf32, #tpu.memory_space<vmem_shared>>
      %dma_start3A_112 = arith.constant 0 : i32
      %dma_start3A_113 = tpu.memref_slice %arg10[%add3A_10, %dma_start3A_112] : memref<10240x128xf32, #tpu.memory_space<vmem_shared>> -> memref<80x128xf32, #tpu.memory_space<vmem_shared>>
      tpu.enqueue_dma source(%arg9 : memref<80x128xf32, #tpu.memory_space<vmem>>) target(%dma_start3A_113 : memref<80x128xf32, #tpu.memory_space<vmem_shared>>) target_semaphore(%run_scoped3A : memref<!tpu.dma_semaphore, #tpu.memory_space<semaphore_mem>>)
      %dma_wait3A = arith.constant 0 : i32
      %dma_wait3A_114 = tpu.memref_slice %arg10[%add3A_10, %dma_wait3A] : memref<10240x128xf32, #tpu.memory_space<vmem_shared>> -> memref<80x128xf32, #tpu.memory_space<vmem_shared>>
      %dma_wait3A_115 = arith.constant 0 : i32
      %dma_wait3A_116 = tpu.memref_slice %arg10[%add3A_10, %dma_wait3A_115] : memref<10240x128xf32, #tpu.memory_space<vmem_shared>> -> memref<80x128xf32, #tpu.memory_space<vmem_shared>>
      tpu.wait_dma2 semaphore(%run_scoped3A : memref<!tpu.dma_semaphore, #tpu.memory_space<semaphore_mem>>) src(%arg9 : memref<80x128xf32, #tpu.memory_space<vmem>>) dst(%dma_wait3A_116 : memref<80x128xf32, #tpu.memory_space<vmem_shared>>)
      tpu.yield
    }) : () -> ()
    %mul3A_11 = arith.constant 640 : i32
    %mul3A_12 = arith.muli %arg1, %mul3A_11 : i32
    %add3A_13 = arith.constant 80 : i32
    %add3A_14 = arith.addi %mul3A_12, %add3A_13 : i32
    "tpu.region"() ({
      %run_scoped3A = tpu.sem_alloc : memref<!tpu.dma_semaphore, #tpu.memory_space<semaphore_mem>>
      %dma_start3A = arith.constant 0 : i32
      %dma_start3A_111 = tpu.memref_slice %arg10[%add3A_14, %dma_start3A] : memref<10240x128xf32, #tpu.memory_space<vmem_shared>> -> memref<80x128xf32, #tpu.memory_space<vmem_shared>>
      %dma_start3A_112 = arith.constant 0 : i32
      %dma_start3A_113 = tpu.memref_slice %arg10[%add3A_14, %dma_start3A_112] : memref<10240x128xf32, #tpu.memory_space<vmem_shared>> -> memref<80x128xf32, #tpu.memory_space<vmem_shared>>
      tpu.enqueue_dma source(%arg9 : memref<80x128xf32, #tpu.memory_space<vmem>>) target(%dma_start3A_113 : memref<80x128xf32, #tpu.memory_space<vmem_shared>>) target_semaphore(%run_scoped3A : memref<!tpu.dma_semaphore, #tpu.memory_space<semaphore_mem>>)
      %dma_wait3A = arith.constant 0 : i32
      %dma_wait3A_114 = tpu.memref_slice %arg10[%add3A_14, %dma_wait3A] : memref<10240x128xf32, #tpu.memory_space<vmem_shared>> -> memref<80x128xf32, #tpu.memory_space<vmem_shared>>
      %dma_wait3A_115 = arith.constant 0 : i32
      %dma_wait3A_116 = tpu.memref_slice %arg10[%add3A_14, %dma_wait3A_115] : memref<10240x128xf32, #tpu.memory_space<vmem_shared>> -> memref<80x128xf32, #tpu.memory_space<vmem_shared>>
      tpu.wait_dma2 semaphore(%run_scoped3A : memref<!tpu.dma_semaphore, #tpu.memory_space<semaphore_mem>>) src(%arg9 : memref<80x128xf32, #tpu.memory_space<vmem>>) dst(%dma_wait3A_116 : memref<80x128xf32, #tpu.memory_space<vmem_shared>>)
      tpu.yield
    }) : () -> ()
    %mul3A_15 = arith.constant 640 : i32
    %mul3A_16 = arith.muli %arg1, %mul3A_15 : i32
    %add3A_17 = arith.constant 160 : i32
    %add3A_18 = arith.addi %mul3A_16, %add3A_17 : i32
    "tpu.region"() ({
      %run_scoped3A = tpu.sem_alloc : memref<!tpu.dma_semaphore, #tpu.memory_space<semaphore_mem>>
      %dma_start3A = arith.constant 0 : i32
      %dma_start3A_111 = tpu.memref_slice %arg10[%add3A_18, %dma_start3A] : memref<10240x128xf32, #tpu.memory_space<vmem_shared>> -> memref<80x128xf32, #tpu.memory_space<vmem_shared>>
      %dma_start3A_112 = arith.constant 0 : i32
      %dma_start3A_113 = tpu.memref_slice %arg10[%add3A_18, %dma_start3A_112] : memref<10240x128xf32, #tpu.memory_space<vmem_shared>> -> memref<80x128xf32, #tpu.memory_space<vmem_shared>>
      tpu.enqueue_dma source(%arg9 : memref<80x128xf32, #tpu.memory_space<vmem>>) target(%dma_start3A_113 : memref<80x128xf32, #tpu.memory_space<vmem_shared>>) target_semaphore(%run_scoped3A : memref<!tpu.dma_semaphore, #tpu.memory_space<semaphore_mem>>)
      %dma_wait3A = arith.constant 0 : i32
      %dma_wait3A_114 = tpu.memref_slice %arg10[%add3A_18, %dma_wait3A] : memref<10240x128xf32, #tpu.memory_space<vmem_shared>> -> memref<80x128xf32, #tpu.memory_space<vmem_shared>>
      %dma_wait3A_115 = arith.constant 0 : i32
      %dma_wait3A_116 = tpu.memref_slice %arg10[%add3A_18, %dma_wait3A_115] : memref<10240x128xf32, #tpu.memory_space<vmem_shared>> -> memref<80x128xf32, #tpu.memory_space<vmem_shared>>
      tpu.wait_dma2 semaphore(%run_scoped3A : memref<!tpu.dma_semaphore, #tpu.memory_space<semaphore_mem>>) src(%arg9 : memref<80x128xf32, #tpu.memory_space<vmem>>) dst(%dma_wait3A_116 : memref<80x128xf32, #tpu.memory_space<vmem_shared>>)
      tpu.yield
    }) : () -> ()
    %mul3A_19 = arith.constant 640 : i32
    %mul3A_20 = arith.muli %arg1, %mul3A_19 : i32
    %add3A_21 = arith.constant 240 : i32
    %add3A_22 = arith.addi %mul3A_20, %add3A_21 : i32
    "tpu.region"() ({
      %run_scoped3A = tpu.sem_alloc : memref<!tpu.dma_semaphore, #tpu.memory_space<semaphore_mem>>
      %dma_start3A = arith.constant 0 : i32
      %dma_start3A_111 = tpu.memref_slice %arg10[%add3A_22, %dma_start3A] : memref<10240x128xf32, #tpu.memory_space<vmem_shared>> -> memref<80x128xf32, #tpu.memory_space<vmem_shared>>
      %dma_start3A_112 = arith.constant 0 : i32
      %dma_start3A_113 = tpu.memref_slice %arg10[%add3A_22, %dma_start3A_112] : memref<10240x128xf32, #tpu.memory_space<vmem_shared>> -> memref<80x128xf32, #tpu.memory_space<vmem_shared>>
      tpu.enqueue_dma source(%arg9 : memref<80x128xf32, #tpu.memory_space<vmem>>) target(%dma_start3A_113 : memref<80x128xf32, #tpu.memory_space<vmem_shared>>) target_semaphore(%run_scoped3A : memref<!tpu.dma_semaphore, #tpu.memory_space<semaphore_mem>>)
      %dma_wait3A = arith.constant 0 : i32
      %dma_wait3A_114 = tpu.memref_slice %arg10[%add3A_22, %dma_wait3A] : memref<10240x128xf32, #tpu.memory_space<vmem_shared>> -> memref<80x128xf32, #tpu.memory_space<vmem_shared>>
      %dma_wait3A_115 = arith.constant 0 : i32
      %dma_wait3A_116 = tpu.memref_slice %arg10[%add3A_22, %dma_wait3A_115] : memref<10240x128xf32, #tpu.memory_space<vmem_shared>> -> memref<80x128xf32, #tpu.memory_space<vmem_shared>>
      tpu.wait_dma2 semaphore(%run_scoped3A : memref<!tpu.dma_semaphore, #tpu.memory_space<semaphore_mem>>) src(%arg9 : memref<80x128xf32, #tpu.memory_space<vmem>>) dst(%dma_wait3A_116 : memref<80x128xf32, #tpu.memory_space<vmem_shared>>)
      tpu.yield
    }) : () -> ()
    %mul3A_23 = arith.constant 640 : i32
    %mul3A_24 = arith.muli %arg1, %mul3A_23 : i32
    %add3A_25 = arith.constant 320 : i32
    %add3A_26 = arith.addi %mul3A_24, %add3A_25 : i32
    "tpu.region"() ({
      %run_scoped3A = tpu.sem_alloc : memref<!tpu.dma_semaphore, #tpu.memory_space<semaphore_mem>>
      %dma_start3A = arith.constant 0 : i32
      %dma_start3A_111 = tpu.memref_slice %arg10[%add3A_26, %dma_start3A] : memref<10240x128xf32, #tpu.memory_space<vmem_shared>> -> memref<80x128xf32, #tpu.memory_space<vmem_shared>>
      %dma_start3A_112 = arith.constant 0 : i32
      %dma_start3A_113 = tpu.memref_slice %arg10[%add3A_26, %dma_start3A_112] : memref<10240x128xf32, #tpu.memory_space<vmem_shared>> -> memref<80x128xf32, #tpu.memory_space<vmem_shared>>
      tpu.enqueue_dma source(%arg9 : memref<80x128xf32, #tpu.memory_space<vmem>>) target(%dma_start3A_113 : memref<80x128xf32, #tpu.memory_space<vmem_shared>>) target_semaphore(%run_scoped3A : memref<!tpu.dma_semaphore, #tpu.memory_space<semaphore_mem>>)
      %dma_wait3A = arith.constant 0 : i32
      %dma_wait3A_114 = tpu.memref_slice %arg10[%add3A_26, %dma_wait3A] : memref<10240x128xf32, #tpu.memory_space<vmem_shared>> -> memref<80x128xf32, #tpu.memory_space<vmem_shared>>
      %dma_wait3A_115 = arith.constant 0 : i32
      %dma_wait3A_116 = tpu.memref_slice %arg10[%add3A_26, %dma_wait3A_115] : memref<10240x128xf32, #tpu.memory_space<vmem_shared>> -> memref<80x128xf32, #tpu.memory_space<vmem_shared>>
      tpu.wait_dma2 semaphore(%run_scoped3A : memref<!tpu.dma_semaphore, #tpu.memory_space<semaphore_mem>>) src(%arg9 : memref<80x128xf32, #tpu.memory_space<vmem>>) dst(%dma_wait3A_116 : memref<80x128xf32, #tpu.memory_space<vmem_shared>>)
      tpu.yield
    }) : () -> ()
    %mul3A_27 = arith.constant 640 : i32
    %mul3A_28 = arith.muli %arg1, %mul3A_27 : i32
    %add3A_29 = arith.constant 400 : i32
    %add3A_30 = arith.addi %mul3A_28, %add3A_29 : i32
    "tpu.region"() ({
      %run_scoped3A = tpu.sem_alloc : memref<!tpu.dma_semaphore, #tpu.memory_space<semaphore_mem>>
      %dma_start3A = arith.constant 0 : i32
      %dma_start3A_111 = tpu.memref_slice %arg10[%add3A_30, %dma_start3A] : memref<10240x128xf32, #tpu.memory_space<vmem_shared>> -> memref<80x128xf32, #tpu.memory_space<vmem_shared>>
      %dma_start3A_112 = arith.constant 0 : i32
      %dma_start3A_113 = tpu.memref_slice %arg10[%add3A_30, %dma_start3A_112] : memref<10240x128xf32, #tpu.memory_space<vmem_shared>> -> memref<80x128xf32, #tpu.memory_space<vmem_shared>>
      tpu.enqueue_dma source(%arg9 : memref<80x128xf32, #tpu.memory_space<vmem>>) target(%dma_start3A_113 : memref<80x128xf32, #tpu.memory_space<vmem_shared>>) target_semaphore(%run_scoped3A : memref<!tpu.dma_semaphore, #tpu.memory_space<semaphore_mem>>)
      %dma_wait3A = arith.constant 0 : i32
      %dma_wait3A_114 = tpu.memref_slice %arg10[%add3A_30, %dma_wait3A] : memref<10240x128xf32, #tpu.memory_space<vmem_shared>> -> memref<80x128xf32, #tpu.memory_space<vmem_shared>>
      %dma_wait3A_115 = arith.constant 0 : i32
      %dma_wait3A_116 = tpu.memref_slice %arg10[%add3A_30, %dma_wait3A_115] : memref<10240x128xf32, #tpu.memory_space<vmem_shared>> -> memref<80x128xf32, #tpu.memory_space<vmem_shared>>
      tpu.wait_dma2 semaphore(%run_scoped3A : memref<!tpu.dma_semaphore, #tpu.memory_space<semaphore_mem>>) src(%arg9 : memref<80x128xf32, #tpu.memory_space<vmem>>) dst(%dma_wait3A_116 : memref<80x128xf32, #tpu.memory_space<vmem_shared>>)
      tpu.yield
    }) : () -> ()
    %mul3A_31 = arith.constant 640 : i32
    %mul3A_32 = arith.muli %arg1, %mul3A_31 : i32
    %add3A_33 = arith.constant 480 : i32
    %add3A_34 = arith.addi %mul3A_32, %add3A_33 : i32
    "tpu.region"() ({
      %run_scoped3A = tpu.sem_alloc : memref<!tpu.dma_semaphore, #tpu.memory_space<semaphore_mem>>
      %dma_start3A = arith.constant 0 : i32
      %dma_start3A_111 = tpu.memref_slice %arg10[%add3A_34, %dma_start3A] : memref<10240x128xf32, #tpu.memory_space<vmem_shared>> -> memref<80x128xf32, #tpu.memory_space<vmem_shared>>
      %dma_start3A_112 = arith.constant 0 : i32
      %dma_start3A_113 = tpu.memref_slice %arg10[%add3A_34, %dma_start3A_112] : memref<10240x128xf32, #tpu.memory_space<vmem_shared>> -> memref<80x128xf32, #tpu.memory_space<vmem_shared>>
      tpu.enqueue_dma source(%arg9 : memref<80x128xf32, #tpu.memory_space<vmem>>) target(%dma_start3A_113 : memref<80x128xf32, #tpu.memory_space<vmem_shared>>) target_semaphore(%run_scoped3A : memref<!tpu.dma_semaphore, #tpu.memory_space<semaphore_mem>>)
      %dma_wait3A = arith.constant 0 : i32
      %dma_wait3A_114 = tpu.memref_slice %arg10[%add3A_34, %dma_wait3A] : memref<10240x128xf32, #tpu.memory_space<vmem_shared>> -> memref<80x128xf32, #tpu.memory_space<vmem_shared>>
      %dma_wait3A_115 = arith.constant 0 : i32
      %dma_wait3A_116 = tpu.memref_slice %arg10[%add3A_34, %dma_wait3A_115] : memref<10240x128xf32, #tpu.memory_space<vmem_shared>> -> memref<80x128xf32, #tpu.memory_space<vmem_shared>>
      tpu.wait_dma2 semaphore(%run_scoped3A : memref<!tpu.dma_semaphore, #tpu.memory_space<semaphore_mem>>) src(%arg9 : memref<80x128xf32, #tpu.memory_space<vmem>>) dst(%dma_wait3A_116 : memref<80x128xf32, #tpu.memory_space<vmem_shared>>)
      tpu.yield
    }) : () -> ()
    %mul3A_35 = arith.constant 640 : i32
    %mul3A_36 = arith.muli %arg1, %mul3A_35 : i32
    %add3A_37 = arith.constant 560 : i32
    %add3A_38 = arith.addi %mul3A_36, %add3A_37 : i32
    "tpu.region"() ({
      %run_scoped3A = tpu.sem_alloc : memref<!tpu.dma_semaphore, #tpu.memory_space<semaphore_mem>>
      %dma_start3A = arith.constant 0 : i32
      %dma_start3A_111 = tpu.memref_slice %arg10[%add3A_38, %dma_start3A] : memref<10240x128xf32, #tpu.memory_space<vmem_shared>> -> memref<80x128xf32, #tpu.memory_space<vmem_shared>>
      %dma_start3A_112 = arith.constant 0 : i32
      %dma_start3A_113 = tpu.memref_slice %arg10[%add3A_38, %dma_start3A_112] : memref<10240x128xf32, #tpu.memory_space<vmem_shared>> -> memref<80x128xf32, #tpu.memory_space<vmem_shared>>
      tpu.enqueue_dma source(%arg9 : memref<80x128xf32, #tpu.memory_space<vmem>>) target(%dma_start3A_113 : memref<80x128xf32, #tpu.memory_space<vmem_shared>>) target_semaphore(%run_scoped3A : memref<!tpu.dma_semaphore, #tpu.memory_space<semaphore_mem>>)
      %dma_wait3A = arith.constant 0 : i32
      %dma_wait3A_114 = tpu.memref_slice %arg10[%add3A_38, %dma_wait3A] : memref<10240x128xf32, #tpu.memory_space<vmem_shared>> -> memref<80x128xf32, #tpu.memory_space<vmem_shared>>
      %dma_wait3A_115 = arith.constant 0 : i32
      %dma_wait3A_116 = tpu.memref_slice %arg10[%add3A_38, %dma_wait3A_115] : memref<10240x128xf32, #tpu.memory_space<vmem_shared>> -> memref<80x128xf32, #tpu.memory_space<vmem_shared>>
      tpu.wait_dma2 semaphore(%run_scoped3A : memref<!tpu.dma_semaphore, #tpu.memory_space<semaphore_mem>>) src(%arg9 : memref<80x128xf32, #tpu.memory_space<vmem>>) dst(%dma_wait3A_116 : memref<80x128xf32, #tpu.memory_space<vmem_shared>>)
      tpu.yield
    }) : () -> ()
    %barrier3A = arith.constant 0 : index
    tpu.barrier barrier_id(%barrier3A)
    "tpu.region"() ({
      %run_scoped3A = tpu.sem_alloc : memref<!tpu.dma_semaphore, #tpu.memory_space<semaphore_mem>>
      %dma_start3A = arith.constant 0 : i32
      %dma_start3A_111 = arith.constant 0 : i32
      %dma_start3A_112 = tpu.memref_slice %arg3[%add3A, %dma_start3A, %dma_start3A_111] : memref<32x79x128xi32, #tpu.memory_space<hbm>> -> memref<1x79x128xi32, #tpu.memory_space<hbm>>
      %dma_start3A_113 = tpu.memref_squeeze %dma_start3A_112 : memref<1x79x128xi32, #tpu.memory_space<hbm>> -> memref<79x128xi32, #tpu.memory_space<hbm>>
      %dma_start3A_114 = arith.constant 0 : i32
      %dma_start3A_115 = arith.constant 0 : i32
      %dma_start3A_116 = tpu.memref_slice %arg3[%add3A, %dma_start3A_114, %dma_start3A_115] : memref<32x79x128xi32, #tpu.memory_space<hbm>> -> memref<1x79x128xi32, #tpu.memory_space<hbm>>
      %dma_start3A_117 = tpu.memref_squeeze %dma_start3A_116 : memref<1x79x128xi32, #tpu.memory_space<hbm>> -> memref<79x128xi32, #tpu.memory_space<hbm>>
      tpu.enqueue_dma source(%dma_start3A_117 : memref<79x128xi32, #tpu.memory_space<hbm>>) target(%arg6 : memref<79x128xi32, #tpu.memory_space<vmem>>) target_semaphore(%run_scoped3A : memref<!tpu.dma_semaphore, #tpu.memory_space<semaphore_mem>>)
      %dma_wait3A = arith.constant 0 : i32
      %dma_wait3A_118 = arith.constant 0 : i32
      %dma_wait3A_119 = tpu.memref_slice %arg3[%add3A, %dma_wait3A, %dma_wait3A_118] : memref<32x79x128xi32, #tpu.memory_space<hbm>> -> memref<1x79x128xi32, #tpu.memory_space<hbm>>
      %dma_wait3A_120 = tpu.memref_squeeze %dma_wait3A_119 : memref<1x79x128xi32, #tpu.memory_space<hbm>> -> memref<79x128xi32, #tpu.memory_space<hbm>>
      %dma_wait3A_121 = arith.constant 0 : i32
      %dma_wait3A_122 = arith.constant 0 : i32
      %dma_wait3A_123 = tpu.memref_slice %arg3[%add3A, %dma_wait3A_121, %dma_wait3A_122] : memref<32x79x128xi32, #tpu.memory_space<hbm>> -> memref<1x79x128xi32, #tpu.memory_space<hbm>>
      %dma_wait3A_124 = tpu.memref_squeeze %dma_wait3A_123 : memref<1x79x128xi32, #tpu.memory_space<hbm>> -> memref<79x128xi32, #tpu.memory_space<hbm>>
      tpu.wait_dma2 semaphore(%run_scoped3A : memref<!tpu.dma_semaphore, #tpu.memory_space<semaphore_mem>>) src(%dma_wait3A_124 : memref<79x128xi32, #tpu.memory_space<hbm>>) dst(%arg6 : memref<79x128xi32, #tpu.memory_space<vmem>>)
      tpu.yield
    }) : () -> ()
    "tpu.region"() ({
      %run_scoped3A = tpu.sem_alloc : memref<!tpu.dma_semaphore, #tpu.memory_space<semaphore_mem>>
      %dma_start3A = arith.constant 0 : i32
      %dma_start3A_111 = arith.constant 0 : i32
      %dma_start3A_112 = tpu.memref_slice %arg4[%add3A, %dma_start3A, %dma_start3A_111] : memref<32x79x128xi32, #tpu.memory_space<hbm>> -> memref<1x79x128xi32, #tpu.memory_space<hbm>>
      %dma_start3A_113 = tpu.memref_squeeze %dma_start3A_112 : memref<1x79x128xi32, #tpu.memory_space<hbm>> -> memref<79x128xi32, #tpu.memory_space<hbm>>
      %dma_start3A_114 = arith.constant 0 : i32
      %dma_start3A_115 = arith.constant 0 : i32
      %dma_start3A_116 = tpu.memref_slice %arg4[%add3A, %dma_start3A_114, %dma_start3A_115] : memref<32x79x128xi32, #tpu.memory_space<hbm>> -> memref<1x79x128xi32, #tpu.memory_space<hbm>>
      %dma_start3A_117 = tpu.memref_squeeze %dma_start3A_116 : memref<1x79x128xi32, #tpu.memory_space<hbm>> -> memref<79x128xi32, #tpu.memory_space<hbm>>
      tpu.enqueue_dma source(%dma_start3A_117 : memref<79x128xi32, #tpu.memory_space<hbm>>) target(%arg7 : memref<79x128xi32, #tpu.memory_space<vmem>>) target_semaphore(%run_scoped3A : memref<!tpu.dma_semaphore, #tpu.memory_space<semaphore_mem>>)
      %dma_wait3A = arith.constant 0 : i32
      %dma_wait3A_118 = arith.constant 0 : i32
      %dma_wait3A_119 = tpu.memref_slice %arg4[%add3A, %dma_wait3A, %dma_wait3A_118] : memref<32x79x128xi32, #tpu.memory_space<hbm>> -> memref<1x79x128xi32, #tpu.memory_space<hbm>>
      %dma_wait3A_120 = tpu.memref_squeeze %dma_wait3A_119 : memref<1x79x128xi32, #tpu.memory_space<hbm>> -> memref<79x128xi32, #tpu.memory_space<hbm>>
      %dma_wait3A_121 = arith.constant 0 : i32
      %dma_wait3A_122 = arith.constant 0 : i32
      %dma_wait3A_123 = tpu.memref_slice %arg4[%add3A, %dma_wait3A_121, %dma_wait3A_122] : memref<32x79x128xi32, #tpu.memory_space<hbm>> -> memref<1x79x128xi32, #tpu.memory_space<hbm>>
      %dma_wait3A_124 = tpu.memref_squeeze %dma_wait3A_123 : memref<1x79x128xi32, #tpu.memory_space<hbm>> -> memref<79x128xi32, #tpu.memory_space<hbm>>
      tpu.wait_dma2 semaphore(%run_scoped3A : memref<!tpu.dma_semaphore, #tpu.memory_space<semaphore_mem>>) src(%dma_wait3A_124 : memref<79x128xi32, #tpu.memory_space<hbm>>) dst(%arg7 : memref<79x128xi32, #tpu.memory_space<vmem>>)
      tpu.yield
    }) : () -> ()
    %scan3A_39 = arith.constant 0 : i32
    %scan3A_40 = arith.constant 0 : i32
    %scan3A_41 = arith.constant 79 : i32
    %scan3A_42 = arith.addi %scan3A_40, %scan3A_41 : i32
    %scan3A_43 = arith.constant 1 : i32
    %scan3A_44 = scf.for %scan3A_111 = %scan3A_40 to %scan3A_42 step %scan3A_43 iter_args(%scan3A_112 = %scan3A_39) -> (i32)  : i32 {
      %dma_start3A = arith.constant 0 : i32
      %dma_start3A_113 = tpu.memref_slice %arg6[%scan3A_111, %dma_start3A] : memref<79x128xi32, #tpu.memory_space<vmem>> -> memref<1x128xi32, #tpu.memory_space<vmem>>
      %dma_start3A_114 = tpu.memref_squeeze %dma_start3A_113 : memref<1x128xi32, #tpu.memory_space<vmem>> -> memref<128xi32, #tpu.memory_space<vmem>>
      %dma_start3A_115 = arith.constant 0 : i32
      %dma_start3A_116 = arith.constant 0 : i32
      %dma_start3A_117 = tpu.memref_slice %arg2[%dma_start3A_115, %dma_start3A_116] : memref<10000x128xf32, #tpu.memory_space<hbm>> -> memref<10000x128xf32, #tpu.memory_space<hbm>>
      tpu.enqueue_indirect_dma source(%dma_start3A_117 : memref<10000x128xf32, #tpu.memory_space<hbm>>) target(%arg8 : memref<128x128xf32, #tpu.memory_space<vmem>>) offsets(%dma_start3A_114 : memref<128xi32, #tpu.memory_space<vmem>>) semaphore(%arg11 : memref<!tpu.dma_semaphore, #tpu.memory_space<semaphore_mem>>)
      %dma_wait3A = arith.constant 0 : i32
      %dma_wait3A_118 = tpu.memref_slice %arg6[%scan3A_111, %dma_wait3A] : memref<79x128xi32, #tpu.memory_space<vmem>> -> memref<1x128xi32, #tpu.memory_space<vmem>>
      %dma_wait3A_119 = tpu.memref_squeeze %dma_wait3A_118 : memref<1x128xi32, #tpu.memory_space<vmem>> -> memref<128xi32, #tpu.memory_space<vmem>>
      %dma_wait3A_120 = arith.constant 0 : i32
      %dma_wait3A_121 = arith.constant 0 : i32
      %dma_wait3A_122 = tpu.memref_slice %arg2[%dma_wait3A_120, %dma_wait3A_121] : memref<10000x128xf32, #tpu.memory_space<hbm>> -> memref<10000x128xf32, #tpu.memory_space<hbm>>
      tpu.wait_indirect_dma semaphore(%arg11 : memref<!tpu.dma_semaphore, #tpu.memory_space<semaphore_mem>>) src(%dma_wait3A_122 : memref<10000x128xf32, #tpu.memory_space<hbm>>) dst(%arg8 : memref<128x128xf32, #tpu.memory_space<vmem>>)
      "tpu.region"() ({
        %run_scoped3A = tpu.sem_alloc : memref<!tpu.dma_semaphore, #tpu.memory_space<semaphore_mem>>
        %dma_start3A_124 = arith.constant 0 : i32
        %dma_start3A_125 = tpu.memref_slice %arg7[%scan3A_111, %dma_start3A_124] : memref<79x128xi32, #tpu.memory_space<vmem>> -> memref<1x128xi32, #tpu.memory_space<vmem>>
        %dma_start3A_126 = tpu.memref_squeeze %dma_start3A_125 : memref<1x128xi32, #tpu.memory_space<vmem>> -> memref<128xi32, #tpu.memory_space<vmem>>
        %dma_start3A_127 = arith.constant 0 : i32
        %dma_start3A_128 = arith.constant 0 : i32
        %dma_start3A_129 = tpu.memref_slice %arg10[%dma_start3A_127, %dma_start3A_128] : memref<10240x128xf32, #tpu.memory_space<vmem_shared>> -> memref<10240x128xf32, #tpu.memory_space<vmem_shared>>
        tpu.enqueue_indirect_dma source(%arg8 : memref<128x128xf32, #tpu.memory_space<vmem>>) target(%dma_start3A_129 : memref<10240x128xf32, #tpu.memory_space<vmem_shared>>) offsets(%dma_start3A_126 : memref<128xi32, #tpu.memory_space<vmem>>) semaphore(%run_scoped3A : memref<!tpu.dma_semaphore, #tpu.memory_space<semaphore_mem>>) {add = true}
        %dma_wait3A_130 = arith.constant 0 : i32
        %dma_wait3A_131 = tpu.memref_slice %arg7[%scan3A_111, %dma_wait3A_130] : memref<79x128xi32, #tpu.memory_space<vmem>> -> memref<1x128xi32, #tpu.memory_space<vmem>>
        %dma_wait3A_132 = tpu.memref_squeeze %dma_wait3A_131 : memref<1x128xi32, #tpu.memory_space<vmem>> -> memref<128xi32, #tpu.memory_space<vmem>>
        %dma_wait3A_133 = arith.constant 0 : i32
        %dma_wait3A_134 = arith.constant 0 : i32
        %dma_wait3A_135 = tpu.memref_slice %arg10[%dma_wait3A_133, %dma_wait3A_134] : memref<10240x128xf32, #tpu.memory_space<vmem_shared>> -> memref<10240x128xf32, #tpu.memory_space<vmem_shared>>
        tpu.wait_indirect_dma semaphore(%run_scoped3A : memref<!tpu.dma_semaphore, #tpu.memory_space<semaphore_mem>>) src(%arg8 : memref<128x128xf32, #tpu.memory_space<vmem>>) dst(%dma_wait3A_135 : memref<10240x128xf32, #tpu.memory_space<vmem_shared>>)
        tpu.yield
      }) : () -> ()
      %scan3A_123 = arith.constant 0 : i32
      scf.yield %scan3A_123 : i32
    }
    %scan3A_45 = arith.constant 79 : i32
    %barrier3A_46 = arith.constant 0 : index
    tpu.barrier barrier_id(%barrier3A_46)
    %mul3A_47 = arith.constant 640 : i32
    %mul3A_48 = arith.muli %arg1, %mul3A_47 : i32
    %add3A_49 = arith.constant 0 : i32
    %add3A_50 = arith.addi %mul3A_48, %add3A_49 : i32
    "tpu.region"() ({
      %run_scoped3A = tpu.sem_alloc : memref<!tpu.dma_semaphore, #tpu.memory_space<semaphore_mem>>
      %dma_start3A = arith.constant 0 : i32
      %dma_start3A_111 = tpu.memref_slice %arg10[%add3A_50, %dma_start3A] : memref<10240x128xf32, #tpu.memory_space<vmem_shared>> -> memref<80x128xf32, #tpu.memory_space<vmem_shared>>
      %dma_start3A_112 = arith.constant 0 : i32
      %dma_start3A_113 = tpu.memref_slice %arg10[%add3A_50, %dma_start3A_112] : memref<10240x128xf32, #tpu.memory_space<vmem_shared>> -> memref<80x128xf32, #tpu.memory_space<vmem_shared>>
      tpu.enqueue_dma source(%dma_start3A_113 : memref<80x128xf32, #tpu.memory_space<vmem_shared>>) target(%arg9 : memref<80x128xf32, #tpu.memory_space<vmem>>) target_semaphore(%run_scoped3A : memref<!tpu.dma_semaphore, #tpu.memory_space<semaphore_mem>>)
      %dma_wait3A = arith.constant 0 : i32
      %dma_wait3A_114 = tpu.memref_slice %arg10[%add3A_50, %dma_wait3A] : memref<10240x128xf32, #tpu.memory_space<vmem_shared>> -> memref<80x128xf32, #tpu.memory_space<vmem_shared>>
      %dma_wait3A_115 = arith.constant 0 : i32
      %dma_wait3A_116 = tpu.memref_slice %arg10[%add3A_50, %dma_wait3A_115] : memref<10240x128xf32, #tpu.memory_space<vmem_shared>> -> memref<80x128xf32, #tpu.memory_space<vmem_shared>>
      tpu.wait_dma2 semaphore(%run_scoped3A : memref<!tpu.dma_semaphore, #tpu.memory_space<semaphore_mem>>) src(%dma_wait3A_116 : memref<80x128xf32, #tpu.memory_space<vmem_shared>>) dst(%arg9 : memref<80x128xf32, #tpu.memory_space<vmem>>)
      tpu.yield
    }) : () -> ()
    %mul3A_51 = arith.constant 640 : i32
    %mul3A_52 = arith.muli %arg1, %mul3A_51 : i32
    %add3A_53 = arith.constant 0 : i32
    %add3A_54 = arith.addi %mul3A_52, %add3A_53 : i32
    "tpu.region"() ({
      %run_scoped3A = tpu.sem_alloc : memref<!tpu.dma_semaphore, #tpu.memory_space<semaphore_mem>>
      %dma_start3A = arith.constant 0 : i32
      %dma_start3A_111 = tpu.memref_slice %arg5[%arg0, %add3A_54, %dma_start3A] : memref<2x10240x128xf32, #tpu.memory_space<hbm>> -> memref<1x80x128xf32, #tpu.memory_space<hbm>>
      %dma_start3A_112 = tpu.memref_squeeze %dma_start3A_111 : memref<1x80x128xf32, #tpu.memory_space<hbm>> -> memref<80x128xf32, #tpu.memory_space<hbm>>
      %dma_start3A_113 = arith.constant 0 : i32
      %dma_start3A_114 = tpu.memref_slice %arg5[%arg0, %add3A_54, %dma_start3A_113] : memref<2x10240x128xf32, #tpu.memory_space<hbm>> -> memref<1x80x128xf32, #tpu.memory_space<hbm>>
      %dma_start3A_115 = tpu.memref_squeeze %dma_start3A_114 : memref<1x80x128xf32, #tpu.memory_space<hbm>> -> memref<80x128xf32, #tpu.memory_space<hbm>>
      tpu.enqueue_dma source(%arg9 : memref<80x128xf32, #tpu.memory_space<vmem>>) target(%dma_start3A_115 : memref<80x128xf32, #tpu.memory_space<hbm>>) target_semaphore(%run_scoped3A : memref<!tpu.dma_semaphore, #tpu.memory_space<semaphore_mem>>)
      %dma_wait3A = arith.constant 0 : i32
      %dma_wait3A_116 = tpu.memref_slice %arg5[%arg0, %add3A_54, %dma_wait3A] : memref<2x10240x128xf32, #tpu.memory_space<hbm>> -> memref<1x80x128xf32, #tpu.memory_space<hbm>>
      %dma_wait3A_117 = tpu.memref_squeeze %dma_wait3A_116 : memref<1x80x128xf32, #tpu.memory_space<hbm>> -> memref<80x128xf32, #tpu.memory_space<hbm>>
      %dma_wait3A_118 = arith.constant 0 : i32
      %dma_wait3A_119 = tpu.memref_slice %arg5[%arg0, %add3A_54, %dma_wait3A_118] : memref<2x10240x128xf32, #tpu.memory_space<hbm>> -> memref<1x80x128xf32, #tpu.memory_space<hbm>>
      %dma_wait3A_120 = tpu.memref_squeeze %dma_wait3A_119 : memref<1x80x128xf32, #tpu.memory_space<hbm>> -> memref<80x128xf32, #tpu.memory_space<hbm>>
      tpu.wait_dma2 semaphore(%run_scoped3A : memref<!tpu.dma_semaphore, #tpu.memory_space<semaphore_mem>>) src(%arg9 : memref<80x128xf32, #tpu.memory_space<vmem>>) dst(%dma_wait3A_120 : memref<80x128xf32, #tpu.memory_space<hbm>>)
      tpu.yield
    }) : () -> ()
    %mul3A_55 = arith.constant 640 : i32
    %mul3A_56 = arith.muli %arg1, %mul3A_55 : i32
    %add3A_57 = arith.constant 80 : i32
    %add3A_58 = arith.addi %mul3A_56, %add3A_57 : i32
    "tpu.region"() ({
      %run_scoped3A = tpu.sem_alloc : memref<!tpu.dma_semaphore, #tpu.memory_space<semaphore_mem>>
      %dma_start3A = arith.constant 0 : i32
      %dma_start3A_111 = tpu.memref_slice %arg10[%add3A_58, %dma_start3A] : memref<10240x128xf32, #tpu.memory_space<vmem_shared>> -> memref<80x128xf32, #tpu.memory_space<vmem_shared>>
      %dma_start3A_112 = arith.constant 0 : i32
      %dma_start3A_113 = tpu.memref_slice %arg10[%add3A_58, %dma_start3A_112] : memref<10240x128xf32, #tpu.memory_space<vmem_shared>> -> memref<80x128xf32, #tpu.memory_space<vmem_shared>>
      tpu.enqueue_dma source(%dma_start3A_113 : memref<80x128xf32, #tpu.memory_space<vmem_shared>>) target(%arg9 : memref<80x128xf32, #tpu.memory_space<vmem>>) target_semaphore(%run_scoped3A : memref<!tpu.dma_semaphore, #tpu.memory_space<semaphore_mem>>)
      %dma_wait3A = arith.constant 0 : i32
      %dma_wait3A_114 = tpu.memref_slice %arg10[%add3A_58, %dma_wait3A] : memref<10240x128xf32, #tpu.memory_space<vmem_shared>> -> memref<80x128xf32, #tpu.memory_space<vmem_shared>>
      %dma_wait3A_115 = arith.constant 0 : i32
      %dma_wait3A_116 = tpu.memref_slice %arg10[%add3A_58, %dma_wait3A_115] : memref<10240x128xf32, #tpu.memory_space<vmem_shared>> -> memref<80x128xf32, #tpu.memory_space<vmem_shared>>
      tpu.wait_dma2 semaphore(%run_scoped3A : memref<!tpu.dma_semaphore, #tpu.memory_space<semaphore_mem>>) src(%dma_wait3A_116 : memref<80x128xf32, #tpu.memory_space<vmem_shared>>) dst(%arg9 : memref<80x128xf32, #tpu.memory_space<vmem>>)
      tpu.yield
    }) : () -> ()
    %mul3A_59 = arith.constant 640 : i32
    %mul3A_60 = arith.muli %arg1, %mul3A_59 : i32
    %add3A_61 = arith.constant 80 : i32
    %add3A_62 = arith.addi %mul3A_60, %add3A_61 : i32
    "tpu.region"() ({
      %run_scoped3A = tpu.sem_alloc : memref<!tpu.dma_semaphore, #tpu.memory_space<semaphore_mem>>
      %dma_start3A = arith.constant 0 : i32
      %dma_start3A_111 = tpu.memref_slice %arg5[%arg0, %add3A_62, %dma_start3A] : memref<2x10240x128xf32, #tpu.memory_space<hbm>> -> memref<1x80x128xf32, #tpu.memory_space<hbm>>
      %dma_start3A_112 = tpu.memref_squeeze %dma_start3A_111 : memref<1x80x128xf32, #tpu.memory_space<hbm>> -> memref<80x128xf32, #tpu.memory_space<hbm>>
      %dma_start3A_113 = arith.constant 0 : i32
      %dma_start3A_114 = tpu.memref_slice %arg5[%arg0, %add3A_62, %dma_start3A_113] : memref<2x10240x128xf32, #tpu.memory_space<hbm>> -> memref<1x80x128xf32, #tpu.memory_space<hbm>>
      %dma_start3A_115 = tpu.memref_squeeze %dma_start3A_114 : memref<1x80x128xf32, #tpu.memory_space<hbm>> -> memref<80x128xf32, #tpu.memory_space<hbm>>
      tpu.enqueue_dma source(%arg9 : memref<80x128xf32, #tpu.memory_space<vmem>>) target(%dma_start3A_115 : memref<80x128xf32, #tpu.memory_space<hbm>>) target_semaphore(%run_scoped3A : memref<!tpu.dma_semaphore, #tpu.memory_space<semaphore_mem>>)
      %dma_wait3A = arith.constant 0 : i32
      %dma_wait3A_116 = tpu.memref_slice %arg5[%arg0, %add3A_62, %dma_wait3A] : memref<2x10240x128xf32, #tpu.memory_space<hbm>> -> memref<1x80x128xf32, #tpu.memory_space<hbm>>
      %dma_wait3A_117 = tpu.memref_squeeze %dma_wait3A_116 : memref<1x80x128xf32, #tpu.memory_space<hbm>> -> memref<80x128xf32, #tpu.memory_space<hbm>>
      %dma_wait3A_118 = arith.constant 0 : i32
      %dma_wait3A_119 = tpu.memref_slice %arg5[%arg0, %add3A_62, %dma_wait3A_118] : memref<2x10240x128xf32, #tpu.memory_space<hbm>> -> memref<1x80x128xf32, #tpu.memory_space<hbm>>
      %dma_wait3A_120 = tpu.memref_squeeze %dma_wait3A_119 : memref<1x80x128xf32, #tpu.memory_space<hbm>> -> memref<80x128xf32, #tpu.memory_space<hbm>>
      tpu.wait_dma2 semaphore(%run_scoped3A : memref<!tpu.dma_semaphore, #tpu.memory_space<semaphore_mem>>) src(%arg9 : memref<80x128xf32, #tpu.memory_space<vmem>>) dst(%dma_wait3A_120 : memref<80x128xf32, #tpu.memory_space<hbm>>)
      tpu.yield
    }) : () -> ()
    %mul3A_63 = arith.constant 640 : i32
    %mul3A_64 = arith.muli %arg1, %mul3A_63 : i32
    %add3A_65 = arith.constant 160 : i32
    %add3A_66 = arith.addi %mul3A_64, %add3A_65 : i32
    "tpu.region"() ({
      %run_scoped3A = tpu.sem_alloc : memref<!tpu.dma_semaphore, #tpu.memory_space<semaphore_mem>>
      %dma_start3A = arith.constant 0 : i32
      %dma_start3A_111 = tpu.memref_slice %arg10[%add3A_66, %dma_start3A] : memref<10240x128xf32, #tpu.memory_space<vmem_shared>> -> memref<80x128xf32, #tpu.memory_space<vmem_shared>>
      %dma_start3A_112 = arith.constant 0 : i32
      %dma_start3A_113 = tpu.memref_slice %arg10[%add3A_66, %dma_start3A_112] : memref<10240x128xf32, #tpu.memory_space<vmem_shared>> -> memref<80x128xf32, #tpu.memory_space<vmem_shared>>
      tpu.enqueue_dma source(%dma_start3A_113 : memref<80x128xf32, #tpu.memory_space<vmem_shared>>) target(%arg9 : memref<80x128xf32, #tpu.memory_space<vmem>>) target_semaphore(%run_scoped3A : memref<!tpu.dma_semaphore, #tpu.memory_space<semaphore_mem>>)
      %dma_wait3A = arith.constant 0 : i32
      %dma_wait3A_114 = tpu.memref_slice %arg10[%add3A_66, %dma_wait3A] : memref<10240x128xf32, #tpu.memory_space<vmem_shared>> -> memref<80x128xf32, #tpu.memory_space<vmem_shared>>
      %dma_wait3A_115 = arith.constant 0 : i32
      %dma_wait3A_116 = tpu.memref_slice %arg10[%add3A_66, %dma_wait3A_115] : memref<10240x128xf32, #tpu.memory_space<vmem_shared>> -> memref<80x128xf32, #tpu.memory_space<vmem_shared>>
      tpu.wait_dma2 semaphore(%run_scoped3A : memref<!tpu.dma_semaphore, #tpu.memory_space<semaphore_mem>>) src(%dma_wait3A_116 : memref<80x128xf32, #tpu.memory_space<vmem_shared>>) dst(%arg9 : memref<80x128xf32, #tpu.memory_space<vmem>>)
      tpu.yield
    }) : () -> ()
    %mul3A_67 = arith.constant 640 : i32
    %mul3A_68 = arith.muli %arg1, %mul3A_67 : i32
    %add3A_69 = arith.constant 160 : i32
    %add3A_70 = arith.addi %mul3A_68, %add3A_69 : i32
    "tpu.region"() ({
      %run_scoped3A = tpu.sem_alloc : memref<!tpu.dma_semaphore, #tpu.memory_space<semaphore_mem>>
      %dma_start3A = arith.constant 0 : i32
      %dma_start3A_111 = tpu.memref_slice %arg5[%arg0, %add3A_70, %dma_start3A] : memref<2x10240x128xf32, #tpu.memory_space<hbm>> -> memref<1x80x128xf32, #tpu.memory_space<hbm>>
      %dma_start3A_112 = tpu.memref_squeeze %dma_start3A_111 : memref<1x80x128xf32, #tpu.memory_space<hbm>> -> memref<80x128xf32, #tpu.memory_space<hbm>>
      %dma_start3A_113 = arith.constant 0 : i32
      %dma_start3A_114 = tpu.memref_slice %arg5[%arg0, %add3A_70, %dma_start3A_113] : memref<2x10240x128xf32, #tpu.memory_space<hbm>> -> memref<1x80x128xf32, #tpu.memory_space<hbm>>
      %dma_start3A_115 = tpu.memref_squeeze %dma_start3A_114 : memref<1x80x128xf32, #tpu.memory_space<hbm>> -> memref<80x128xf32, #tpu.memory_space<hbm>>
      tpu.enqueue_dma source(%arg9 : memref<80x128xf32, #tpu.memory_space<vmem>>) target(%dma_start3A_115 : memref<80x128xf32, #tpu.memory_space<hbm>>) target_semaphore(%run_scoped3A : memref<!tpu.dma_semaphore, #tpu.memory_space<semaphore_mem>>)
      %dma_wait3A = arith.constant 0 : i32
      %dma_wait3A_116 = tpu.memref_slice %arg5[%arg0, %add3A_70, %dma_wait3A] : memref<2x10240x128xf32, #tpu.memory_space<hbm>> -> memref<1x80x128xf32, #tpu.memory_space<hbm>>
      %dma_wait3A_117 = tpu.memref_squeeze %dma_wait3A_116 : memref<1x80x128xf32, #tpu.memory_space<hbm>> -> memref<80x128xf32, #tpu.memory_space<hbm>>
      %dma_wait3A_118 = arith.constant 0 : i32
      %dma_wait3A_119 = tpu.memref_slice %arg5[%arg0, %add3A_70, %dma_wait3A_118] : memref<2x10240x128xf32, #tpu.memory_space<hbm>> -> memref<1x80x128xf32, #tpu.memory_space<hbm>>
      %dma_wait3A_120 = tpu.memref_squeeze %dma_wait3A_119 : memref<1x80x128xf32, #tpu.memory_space<hbm>> -> memref<80x128xf32, #tpu.memory_space<hbm>>
      tpu.wait_dma2 semaphore(%run_scoped3A : memref<!tpu.dma_semaphore, #tpu.memory_space<semaphore_mem>>) src(%arg9 : memref<80x128xf32, #tpu.memory_space<vmem>>) dst(%dma_wait3A_120 : memref<80x128xf32, #tpu.memory_space<hbm>>)
      tpu.yield
    }) : () -> ()
    %mul3A_71 = arith.constant 640 : i32
    %mul3A_72 = arith.muli %arg1, %mul3A_71 : i32
    %add3A_73 = arith.constant 240 : i32
    %add3A_74 = arith.addi %mul3A_72, %add3A_73 : i32
    "tpu.region"() ({
      %run_scoped3A = tpu.sem_alloc : memref<!tpu.dma_semaphore, #tpu.memory_space<semaphore_mem>>
      %dma_start3A = arith.constant 0 : i32
      %dma_start3A_111 = tpu.memref_slice %arg10[%add3A_74, %dma_start3A] : memref<10240x128xf32, #tpu.memory_space<vmem_shared>> -> memref<80x128xf32, #tpu.memory_space<vmem_shared>>
      %dma_start3A_112 = arith.constant 0 : i32
      %dma_start3A_113 = tpu.memref_slice %arg10[%add3A_74, %dma_start3A_112] : memref<10240x128xf32, #tpu.memory_space<vmem_shared>> -> memref<80x128xf32, #tpu.memory_space<vmem_shared>>
      tpu.enqueue_dma source(%dma_start3A_113 : memref<80x128xf32, #tpu.memory_space<vmem_shared>>) target(%arg9 : memref<80x128xf32, #tpu.memory_space<vmem>>) target_semaphore(%run_scoped3A : memref<!tpu.dma_semaphore, #tpu.memory_space<semaphore_mem>>)
      %dma_wait3A = arith.constant 0 : i32
      %dma_wait3A_114 = tpu.memref_slice %arg10[%add3A_74, %dma_wait3A] : memref<10240x128xf32, #tpu.memory_space<vmem_shared>> -> memref<80x128xf32, #tpu.memory_space<vmem_shared>>
      %dma_wait3A_115 = arith.constant 0 : i32
      %dma_wait3A_116 = tpu.memref_slice %arg10[%add3A_74, %dma_wait3A_115] : memref<10240x128xf32, #tpu.memory_space<vmem_shared>> -> memref<80x128xf32, #tpu.memory_space<vmem_shared>>
      tpu.wait_dma2 semaphore(%run_scoped3A : memref<!tpu.dma_semaphore, #tpu.memory_space<semaphore_mem>>) src(%dma_wait3A_116 : memref<80x128xf32, #tpu.memory_space<vmem_shared>>) dst(%arg9 : memref<80x128xf32, #tpu.memory_space<vmem>>)
      tpu.yield
    }) : () -> ()
    %mul3A_75 = arith.constant 640 : i32
    %mul3A_76 = arith.muli %arg1, %mul3A_75 : i32
    %add3A_77 = arith.constant 240 : i32
    %add3A_78 = arith.addi %mul3A_76, %add3A_77 : i32
    "tpu.region"() ({
      %run_scoped3A = tpu.sem_alloc : memref<!tpu.dma_semaphore, #tpu.memory_space<semaphore_mem>>
      %dma_start3A = arith.constant 0 : i32
      %dma_start3A_111 = tpu.memref_slice %arg5[%arg0, %add3A_78, %dma_start3A] : memref<2x10240x128xf32, #tpu.memory_space<hbm>> -> memref<1x80x128xf32, #tpu.memory_space<hbm>>
      %dma_start3A_112 = tpu.memref_squeeze %dma_start3A_111 : memref<1x80x128xf32, #tpu.memory_space<hbm>> -> memref<80x128xf32, #tpu.memory_space<hbm>>
      %dma_start3A_113 = arith.constant 0 : i32
      %dma_start3A_114 = tpu.memref_slice %arg5[%arg0, %add3A_78, %dma_start3A_113] : memref<2x10240x128xf32, #tpu.memory_space<hbm>> -> memref<1x80x128xf32, #tpu.memory_space<hbm>>
      %dma_start3A_115 = tpu.memref_squeeze %dma_start3A_114 : memref<1x80x128xf32, #tpu.memory_space<hbm>> -> memref<80x128xf32, #tpu.memory_space<hbm>>
      tpu.enqueue_dma source(%arg9 : memref<80x128xf32, #tpu.memory_space<vmem>>) target(%dma_start3A_115 : memref<80x128xf32, #tpu.memory_space<hbm>>) target_semaphore(%run_scoped3A : memref<!tpu.dma_semaphore, #tpu.memory_space<semaphore_mem>>)
      %dma_wait3A = arith.constant 0 : i32
      %dma_wait3A_116 = tpu.memref_slice %arg5[%arg0, %add3A_78, %dma_wait3A] : memref<2x10240x128xf32, #tpu.memory_space<hbm>> -> memref<1x80x128xf32, #tpu.memory_space<hbm>>
      %dma_wait3A_117 = tpu.memref_squeeze %dma_wait3A_116 : memref<1x80x128xf32, #tpu.memory_space<hbm>> -> memref<80x128xf32, #tpu.memory_space<hbm>>
      %dma_wait3A_118 = arith.constant 0 : i32
      %dma_wait3A_119 = tpu.memref_slice %arg5[%arg0, %add3A_78, %dma_wait3A_118] : memref<2x10240x128xf32, #tpu.memory_space<hbm>> -> memref<1x80x128xf32, #tpu.memory_space<hbm>>
      %dma_wait3A_120 = tpu.memref_squeeze %dma_wait3A_119 : memref<1x80x128xf32, #tpu.memory_space<hbm>> -> memref<80x128xf32, #tpu.memory_space<hbm>>
      tpu.wait_dma2 semaphore(%run_scoped3A : memref<!tpu.dma_semaphore, #tpu.memory_space<semaphore_mem>>) src(%arg9 : memref<80x128xf32, #tpu.memory_space<vmem>>) dst(%dma_wait3A_120 : memref<80x128xf32, #tpu.memory_space<hbm>>)
      tpu.yield
    }) : () -> ()
    %mul3A_79 = arith.constant 640 : i32
    %mul3A_80 = arith.muli %arg1, %mul3A_79 : i32
    %add3A_81 = arith.constant 320 : i32
    %add3A_82 = arith.addi %mul3A_80, %add3A_81 : i32
    "tpu.region"() ({
      %run_scoped3A = tpu.sem_alloc : memref<!tpu.dma_semaphore, #tpu.memory_space<semaphore_mem>>
      %dma_start3A = arith.constant 0 : i32
      %dma_start3A_111 = tpu.memref_slice %arg10[%add3A_82, %dma_start3A] : memref<10240x128xf32, #tpu.memory_space<vmem_shared>> -> memref<80x128xf32, #tpu.memory_space<vmem_shared>>
      %dma_start3A_112 = arith.constant 0 : i32
      %dma_start3A_113 = tpu.memref_slice %arg10[%add3A_82, %dma_start3A_112] : memref<10240x128xf32, #tpu.memory_space<vmem_shared>> -> memref<80x128xf32, #tpu.memory_space<vmem_shared>>
      tpu.enqueue_dma source(%dma_start3A_113 : memref<80x128xf32, #tpu.memory_space<vmem_shared>>) target(%arg9 : memref<80x128xf32, #tpu.memory_space<vmem>>) target_semaphore(%run_scoped3A : memref<!tpu.dma_semaphore, #tpu.memory_space<semaphore_mem>>)
      %dma_wait3A = arith.constant 0 : i32
      %dma_wait3A_114 = tpu.memref_slice %arg10[%add3A_82, %dma_wait3A] : memref<10240x128xf32, #tpu.memory_space<vmem_shared>> -> memref<80x128xf32, #tpu.memory_space<vmem_shared>>
      %dma_wait3A_115 = arith.constant 0 : i32
      %dma_wait3A_116 = tpu.memref_slice %arg10[%add3A_82, %dma_wait3A_115] : memref<10240x128xf32, #tpu.memory_space<vmem_shared>> -> memref<80x128xf32, #tpu.memory_space<vmem_shared>>
      tpu.wait_dma2 semaphore(%run_scoped3A : memref<!tpu.dma_semaphore, #tpu.memory_space<semaphore_mem>>) src(%dma_wait3A_116 : memref<80x128xf32, #tpu.memory_space<vmem_shared>>) dst(%arg9 : memref<80x128xf32, #tpu.memory_space<vmem>>)
      tpu.yield
    }) : () -> ()
    %mul3A_83 = arith.constant 640 : i32
    %mul3A_84 = arith.muli %arg1, %mul3A_83 : i32
    %add3A_85 = arith.constant 320 : i32
    %add3A_86 = arith.addi %mul3A_84, %add3A_85 : i32
    "tpu.region"() ({
      %run_scoped3A = tpu.sem_alloc : memref<!tpu.dma_semaphore, #tpu.memory_space<semaphore_mem>>
      %dma_start3A = arith.constant 0 : i32
      %dma_start3A_111 = tpu.memref_slice %arg5[%arg0, %add3A_86, %dma_start3A] : memref<2x10240x128xf32, #tpu.memory_space<hbm>> -> memref<1x80x128xf32, #tpu.memory_space<hbm>>
      %dma_start3A_112 = tpu.memref_squeeze %dma_start3A_111 : memref<1x80x128xf32, #tpu.memory_space<hbm>> -> memref<80x128xf32, #tpu.memory_space<hbm>>
      %dma_start3A_113 = arith.constant 0 : i32
      %dma_start3A_114 = tpu.memref_slice %arg5[%arg0, %add3A_86, %dma_start3A_113] : memref<2x10240x128xf32, #tpu.memory_space<hbm>> -> memref<1x80x128xf32, #tpu.memory_space<hbm>>
      %dma_start3A_115 = tpu.memref_squeeze %dma_start3A_114 : memref<1x80x128xf32, #tpu.memory_space<hbm>> -> memref<80x128xf32, #tpu.memory_space<hbm>>
      tpu.enqueue_dma source(%arg9 : memref<80x128xf32, #tpu.memory_space<vmem>>) target(%dma_start3A_115 : memref<80x128xf32, #tpu.memory_space<hbm>>) target_semaphore(%run_scoped3A : memref<!tpu.dma_semaphore, #tpu.memory_space<semaphore_mem>>)
      %dma_wait3A = arith.constant 0 : i32
      %dma_wait3A_116 = tpu.memref_slice %arg5[%arg0, %add3A_86, %dma_wait3A] : memref<2x10240x128xf32, #tpu.memory_space<hbm>> -> memref<1x80x128xf32, #tpu.memory_space<hbm>>
      %dma_wait3A_117 = tpu.memref_squeeze %dma_wait3A_116 : memref<1x80x128xf32, #tpu.memory_space<hbm>> -> memref<80x128xf32, #tpu.memory_space<hbm>>
      %dma_wait3A_118 = arith.constant 0 : i32
      %dma_wait3A_119 = tpu.memref_slice %arg5[%arg0, %add3A_86, %dma_wait3A_118] : memref<2x10240x128xf32, #tpu.memory_space<hbm>> -> memref<1x80x128xf32, #tpu.memory_space<hbm>>
      %dma_wait3A_120 = tpu.memref_squeeze %dma_wait3A_119 : memref<1x80x128xf32, #tpu.memory_space<hbm>> -> memref<80x128xf32, #tpu.memory_space<hbm>>
      tpu.wait_dma2 semaphore(%run_scoped3A : memref<!tpu.dma_semaphore, #tpu.memory_space<semaphore_mem>>) src(%arg9 : memref<80x128xf32, #tpu.memory_space<vmem>>) dst(%dma_wait3A_120 : memref<80x128xf32, #tpu.memory_space<hbm>>)
      tpu.yield
    }) : () -> ()
    %mul3A_87 = arith.constant 640 : i32
    %mul3A_88 = arith.muli %arg1, %mul3A_87 : i32
    %add3A_89 = arith.constant 400 : i32
    %add3A_90 = arith.addi %mul3A_88, %add3A_89 : i32
    "tpu.region"() ({
      %run_scoped3A = tpu.sem_alloc : memref<!tpu.dma_semaphore, #tpu.memory_space<semaphore_mem>>
      %dma_start3A = arith.constant 0 : i32
      %dma_start3A_111 = tpu.memref_slice %arg10[%add3A_90, %dma_start3A] : memref<10240x128xf32, #tpu.memory_space<vmem_shared>> -> memref<80x128xf32, #tpu.memory_space<vmem_shared>>
      %dma_start3A_112 = arith.constant 0 : i32
      %dma_start3A_113 = tpu.memref_slice %arg10[%add3A_90, %dma_start3A_112] : memref<10240x128xf32, #tpu.memory_space<vmem_shared>> -> memref<80x128xf32, #tpu.memory_space<vmem_shared>>
      tpu.enqueue_dma source(%dma_start3A_113 : memref<80x128xf32, #tpu.memory_space<vmem_shared>>) target(%arg9 : memref<80x128xf32, #tpu.memory_space<vmem>>) target_semaphore(%run_scoped3A : memref<!tpu.dma_semaphore, #tpu.memory_space<semaphore_mem>>)
      %dma_wait3A = arith.constant 0 : i32
      %dma_wait3A_114 = tpu.memref_slice %arg10[%add3A_90, %dma_wait3A] : memref<10240x128xf32, #tpu.memory_space<vmem_shared>> -> memref<80x128xf32, #tpu.memory_space<vmem_shared>>
      %dma_wait3A_115 = arith.constant 0 : i32
      %dma_wait3A_116 = tpu.memref_slice %arg10[%add3A_90, %dma_wait3A_115] : memref<10240x128xf32, #tpu.memory_space<vmem_shared>> -> memref<80x128xf32, #tpu.memory_space<vmem_shared>>
      tpu.wait_dma2 semaphore(%run_scoped3A : memref<!tpu.dma_semaphore, #tpu.memory_space<semaphore_mem>>) src(%dma_wait3A_116 : memref<80x128xf32, #tpu.memory_space<vmem_shared>>) dst(%arg9 : memref<80x128xf32, #tpu.memory_space<vmem>>)
      tpu.yield
    }) : () -> ()
    %mul3A_91 = arith.constant 640 : i32
    %mul3A_92 = arith.muli %arg1, %mul3A_91 : i32
    %add3A_93 = arith.constant 400 : i32
    %add3A_94 = arith.addi %mul3A_92, %add3A_93 : i32
    "tpu.region"() ({
      %run_scoped3A = tpu.sem_alloc : memref<!tpu.dma_semaphore, #tpu.memory_space<semaphore_mem>>
      %dma_start3A = arith.constant 0 : i32
      %dma_start3A_111 = tpu.memref_slice %arg5[%arg0, %add3A_94, %dma_start3A] : memref<2x10240x128xf32, #tpu.memory_space<hbm>> -> memref<1x80x128xf32, #tpu.memory_space<hbm>>
      %dma_start3A_112 = tpu.memref_squeeze %dma_start3A_111 : memref<1x80x128xf32, #tpu.memory_space<hbm>> -> memref<80x128xf32, #tpu.memory_space<hbm>>
      %dma_start3A_113 = arith.constant 0 : i32
      %dma_start3A_114 = tpu.memref_slice %arg5[%arg0, %add3A_94, %dma_start3A_113] : memref<2x10240x128xf32, #tpu.memory_space<hbm>> -> memref<1x80x128xf32, #tpu.memory_space<hbm>>
      %dma_start3A_115 = tpu.memref_squeeze %dma_start3A_114 : memref<1x80x128xf32, #tpu.memory_space<hbm>> -> memref<80x128xf32, #tpu.memory_space<hbm>>
      tpu.enqueue_dma source(%arg9 : memref<80x128xf32, #tpu.memory_space<vmem>>) target(%dma_start3A_115 : memref<80x128xf32, #tpu.memory_space<hbm>>) target_semaphore(%run_scoped3A : memref<!tpu.dma_semaphore, #tpu.memory_space<semaphore_mem>>)
      %dma_wait3A = arith.constant 0 : i32
      %dma_wait3A_116 = tpu.memref_slice %arg5[%arg0, %add3A_94, %dma_wait3A] : memref<2x10240x128xf32, #tpu.memory_space<hbm>> -> memref<1x80x128xf32, #tpu.memory_space<hbm>>
      %dma_wait3A_117 = tpu.memref_squeeze %dma_wait3A_116 : memref<1x80x128xf32, #tpu.memory_space<hbm>> -> memref<80x128xf32, #tpu.memory_space<hbm>>
      %dma_wait3A_118 = arith.constant 0 : i32
      %dma_wait3A_119 = tpu.memref_slice %arg5[%arg0, %add3A_94, %dma_wait3A_118] : memref<2x10240x128xf32, #tpu.memory_space<hbm>> -> memref<1x80x128xf32, #tpu.memory_space<hbm>>
      %dma_wait3A_120 = tpu.memref_squeeze %dma_wait3A_119 : memref<1x80x128xf32, #tpu.memory_space<hbm>> -> memref<80x128xf32, #tpu.memory_space<hbm>>
      tpu.wait_dma2 semaphore(%run_scoped3A : memref<!tpu.dma_semaphore, #tpu.memory_space<semaphore_mem>>) src(%arg9 : memref<80x128xf32, #tpu.memory_space<vmem>>) dst(%dma_wait3A_120 : memref<80x128xf32, #tpu.memory_space<hbm>>)
      tpu.yield
    }) : () -> ()
    %mul3A_95 = arith.constant 640 : i32
    %mul3A_96 = arith.muli %arg1, %mul3A_95 : i32
    %add3A_97 = arith.constant 480 : i32
    %add3A_98 = arith.addi %mul3A_96, %add3A_97 : i32
    "tpu.region"() ({
      %run_scoped3A = tpu.sem_alloc : memref<!tpu.dma_semaphore, #tpu.memory_space<semaphore_mem>>
      %dma_start3A = arith.constant 0 : i32
      %dma_start3A_111 = tpu.memref_slice %arg10[%add3A_98, %dma_start3A] : memref<10240x128xf32, #tpu.memory_space<vmem_shared>> -> memref<80x128xf32, #tpu.memory_space<vmem_shared>>
      %dma_start3A_112 = arith.constant 0 : i32
      %dma_start3A_113 = tpu.memref_slice %arg10[%add3A_98, %dma_start3A_112] : memref<10240x128xf32, #tpu.memory_space<vmem_shared>> -> memref<80x128xf32, #tpu.memory_space<vmem_shared>>
      tpu.enqueue_dma source(%dma_start3A_113 : memref<80x128xf32, #tpu.memory_space<vmem_shared>>) target(%arg9 : memref<80x128xf32, #tpu.memory_space<vmem>>) target_semaphore(%run_scoped3A : memref<!tpu.dma_semaphore, #tpu.memory_space<semaphore_mem>>)
      %dma_wait3A = arith.constant 0 : i32
      %dma_wait3A_114 = tpu.memref_slice %arg10[%add3A_98, %dma_wait3A] : memref<10240x128xf32, #tpu.memory_space<vmem_shared>> -> memref<80x128xf32, #tpu.memory_space<vmem_shared>>
      %dma_wait3A_115 = arith.constant 0 : i32
      %dma_wait3A_116 = tpu.memref_slice %arg10[%add3A_98, %dma_wait3A_115] : memref<10240x128xf32, #tpu.memory_space<vmem_shared>> -> memref<80x128xf32, #tpu.memory_space<vmem_shared>>
      tpu.wait_dma2 semaphore(%run_scoped3A : memref<!tpu.dma_semaphore, #tpu.memory_space<semaphore_mem>>) src(%dma_wait3A_116 : memref<80x128xf32, #tpu.memory_space<vmem_shared>>) dst(%arg9 : memref<80x128xf32, #tpu.memory_space<vmem>>)
      tpu.yield
    }) : () -> ()
    %mul3A_99 = arith.constant 640 : i32
    %mul3A_100 = arith.muli %arg1, %mul3A_99 : i32
    %add3A_101 = arith.constant 480 : i32
    %add3A_102 = arith.addi %mul3A_100, %add3A_101 : i32
    "tpu.region"() ({
      %run_scoped3A = tpu.sem_alloc : memref<!tpu.dma_semaphore, #tpu.memory_space<semaphore_mem>>
      %dma_start3A = arith.constant 0 : i32
      %dma_start3A_111 = tpu.memref_slice %arg5[%arg0, %add3A_102, %dma_start3A] : memref<2x10240x128xf32, #tpu.memory_space<hbm>> -> memref<1x80x128xf32, #tpu.memory_space<hbm>>
      %dma_start3A_112 = tpu.memref_squeeze %dma_start3A_111 : memref<1x80x128xf32, #tpu.memory_space<hbm>> -> memref<80x128xf32, #tpu.memory_space<hbm>>
      %dma_start3A_113 = arith.constant 0 : i32
      %dma_start3A_114 = tpu.memref_slice %arg5[%arg0, %add3A_102, %dma_start3A_113] : memref<2x10240x128xf32, #tpu.memory_space<hbm>> -> memref<1x80x128xf32, #tpu.memory_space<hbm>>
      %dma_start3A_115 = tpu.memref_squeeze %dma_start3A_114 : memref<1x80x128xf32, #tpu.memory_space<hbm>> -> memref<80x128xf32, #tpu.memory_space<hbm>>
      tpu.enqueue_dma source(%arg9 : memref<80x128xf32, #tpu.memory_space<vmem>>) target(%dma_start3A_115 : memref<80x128xf32, #tpu.memory_space<hbm>>) target_semaphore(%run_scoped3A : memref<!tpu.dma_semaphore, #tpu.memory_space<semaphore_mem>>)
      %dma_wait3A = arith.constant 0 : i32
      %dma_wait3A_116 = tpu.memref_slice %arg5[%arg0, %add3A_102, %dma_wait3A] : memref<2x10240x128xf32, #tpu.memory_space<hbm>> -> memref<1x80x128xf32, #tpu.memory_space<hbm>>
      %dma_wait3A_117 = tpu.memref_squeeze %dma_wait3A_116 : memref<1x80x128xf32, #tpu.memory_space<hbm>> -> memref<80x128xf32, #tpu.memory_space<hbm>>
      %dma_wait3A_118 = arith.constant 0 : i32
      %dma_wait3A_119 = tpu.memref_slice %arg5[%arg0, %add3A_102, %dma_wait3A_118] : memref<2x10240x128xf32, #tpu.memory_space<hbm>> -> memref<1x80x128xf32, #tpu.memory_space<hbm>>
      %dma_wait3A_120 = tpu.memref_squeeze %dma_wait3A_119 : memref<1x80x128xf32, #tpu.memory_space<hbm>> -> memref<80x128xf32, #tpu.memory_space<hbm>>
      tpu.wait_dma2 semaphore(%run_scoped3A : memref<!tpu.dma_semaphore, #tpu.memory_space<semaphore_mem>>) src(%arg9 : memref<80x128xf32, #tpu.memory_space<vmem>>) dst(%dma_wait3A_120 : memref<80x128xf32, #tpu.memory_space<hbm>>)
      tpu.yield
    }) : () -> ()
    %mul3A_103 = arith.constant 640 : i32
    %mul3A_104 = arith.muli %arg1, %mul3A_103 : i32
    %add3A_105 = arith.constant 560 : i32
    %add3A_106 = arith.addi %mul3A_104, %add3A_105 : i32
    "tpu.region"() ({
      %run_scoped3A = tpu.sem_alloc : memref<!tpu.dma_semaphore, #tpu.memory_space<semaphore_mem>>
      %dma_start3A = arith.constant 0 : i32
      %dma_start3A_111 = tpu.memref_slice %arg10[%add3A_106, %dma_start3A] : memref<10240x128xf32, #tpu.memory_space<vmem_shared>> -> memref<80x128xf32, #tpu.memory_space<vmem_shared>>
      %dma_start3A_112 = arith.constant 0 : i32
      %dma_start3A_113 = tpu.memref_slice %arg10[%add3A_106, %dma_start3A_112] : memref<10240x128xf32, #tpu.memory_space<vmem_shared>> -> memref<80x128xf32, #tpu.memory_space<vmem_shared>>
      tpu.enqueue_dma source(%dma_start3A_113 : memref<80x128xf32, #tpu.memory_space<vmem_shared>>) target(%arg9 : memref<80x128xf32, #tpu.memory_space<vmem>>) target_semaphore(%run_scoped3A : memref<!tpu.dma_semaphore, #tpu.memory_space<semaphore_mem>>)
      %dma_wait3A = arith.constant 0 : i32
      %dma_wait3A_114 = tpu.memref_slice %arg10[%add3A_106, %dma_wait3A] : memref<10240x128xf32, #tpu.memory_space<vmem_shared>> -> memref<80x128xf32, #tpu.memory_space<vmem_shared>>
      %dma_wait3A_115 = arith.constant 0 : i32
      %dma_wait3A_116 = tpu.memref_slice %arg10[%add3A_106, %dma_wait3A_115] : memref<10240x128xf32, #tpu.memory_space<vmem_shared>> -> memref<80x128xf32, #tpu.memory_space<vmem_shared>>
      tpu.wait_dma2 semaphore(%run_scoped3A : memref<!tpu.dma_semaphore, #tpu.memory_space<semaphore_mem>>) src(%dma_wait3A_116 : memref<80x128xf32, #tpu.memory_space<vmem_shared>>) dst(%arg9 : memref<80x128xf32, #tpu.memory_space<vmem>>)
      tpu.yield
    }) : () -> ()
    %mul3A_107 = arith.constant 640 : i32
    %mul3A_108 = arith.muli %arg1, %mul3A_107 : i32
    %add3A_109 = arith.constant 560 : i32
    %add3A_110 = arith.addi %mul3A_108, %add3A_109 : i32
    "tpu.region"() ({
      %run_scoped3A = tpu.sem_alloc : memref<!tpu.dma_semaphore, #tpu.memory_space<semaphore_mem>>
      %dma_start3A = arith.constant 0 : i32
      %dma_start3A_111 = tpu.memref_slice %arg5[%arg0, %add3A_110, %dma_start3A] : memref<2x10240x128xf32, #tpu.memory_space<hbm>> -> memref<1x80x128xf32, #tpu.memory_space<hbm>>
      %dma_start3A_112 = tpu.memref_squeeze %dma_start3A_111 : memref<1x80x128xf32, #tpu.memory_space<hbm>> -> memref<80x128xf32, #tpu.memory_space<hbm>>
      %dma_start3A_113 = arith.constant 0 : i32
      %dma_start3A_114 = tpu.memref_slice %arg5[%arg0, %add3A_110, %dma_start3A_113] : memref<2x10240x128xf32, #tpu.memory_space<hbm>> -> memref<1x80x128xf32, #tpu.memory_space<hbm>>
      %dma_start3A_115 = tpu.memref_squeeze %dma_start3A_114 : memref<1x80x128xf32, #tpu.memory_space<hbm>> -> memref<80x128xf32, #tpu.memory_space<hbm>>
      tpu.enqueue_dma source(%arg9 : memref<80x128xf32, #tpu.memory_space<vmem>>) target(%dma_start3A_115 : memref<80x128xf32, #tpu.memory_space<hbm>>) target_semaphore(%run_scoped3A : memref<!tpu.dma_semaphore, #tpu.memory_space<semaphore_mem>>)
      %dma_wait3A = arith.constant 0 : i32
      %dma_wait3A_116 = tpu.memref_slice %arg5[%arg0, %add3A_110, %dma_wait3A] : memref<2x10240x128xf32, #tpu.memory_space<hbm>> -> memref<1x80x128xf32, #tpu.memory_space<hbm>>
      %dma_wait3A_117 = tpu.memref_squeeze %dma_wait3A_116 : memref<1x80x128xf32, #tpu.memory_space<hbm>> -> memref<80x128xf32, #tpu.memory_space<hbm>>
      %dma_wait3A_118 = arith.constant 0 : i32
      %dma_wait3A_119 = tpu.memref_slice %arg5[%arg0, %add3A_110, %dma_wait3A_118] : memref<2x10240x128xf32, #tpu.memory_space<hbm>> -> memref<1x80x128xf32, #tpu.memory_space<hbm>>
      %dma_wait3A_120 = tpu.memref_squeeze %dma_wait3A_119 : memref<1x80x128xf32, #tpu.memory_space<hbm>> -> memref<80x128xf32, #tpu.memory_space<hbm>>
      tpu.wait_dma2 semaphore(%run_scoped3A : memref<!tpu.dma_semaphore, #tpu.memory_space<semaphore_mem>>) src(%arg9 : memref<80x128xf32, #tpu.memory_space<vmem>>) dst(%dma_wait3A_120 : memref<80x128xf32, #tpu.memory_space<hbm>>)
      tpu.yield
    }) : () -> ()
    return
  }
}

module attributes {stable_mosaic.version = 14 : i64} {
  func.func @_y_kernel(%arg0: i32, %arg1: memref<1000x128xf32, #tpu.memory_space<vmem>>, %arg2: memref<128x128xf32, #tpu.memory_space<vmem>>, %arg3: memref<2x1x1x1000xf32, #tpu.memory_space<vmem>>, %arg4: memref<1000x128xf32, #tpu.memory_space<vmem>>, %arg5: memref<1x1x1000xf32, #tpu.memory_space<vmem>>) attributes {dimension_semantics = [#tpu.dimension_semantics<arbitrary>], iteration_bounds = array<i64: 10>, scalar_prefetch = 0 : i64, scratch_operands = 0 : i64, tpu.core_type = #tpu.core_type<tc>, window_params = [{transform_indices = @transform_0, window_bounds = array<i64: 1000, 128>}, {pipeline_mode = #tpu.pipeline_mode<synchronous>, transform_indices = @transform_1, window_bounds = array<i64: 128, 128>}, {transform_indices = @transform_2, window_bounds = array<i64: 2, 1, 1, 1000>}, {transform_indices = @transform_3, window_bounds = array<i64: 1000, 128>}, {transform_indices = @transform_4, window_bounds = array<i64: 1, 1, 1000>}]} {
    %get3A = arith.constant 0 : index
    %get3A_0 = arith.constant 0 : index
    %get3A_1 = arith.constant 0 : index
    %get3A_2 = arith.constant 0 : index
    %get3A_3 = vector.load %arg3[%get3A, %get3A_0, %get3A_1, %get3A_2] : memref<2x1x1x1000xf32, #tpu.memory_space<vmem>>, vector<1x1x1x1000xf32>
    %get3A_4 = vector.shape_cast %get3A_3 : vector<1x1x1x1000xf32> to vector<1000xf32>
    %get3A_5 = arith.constant 1 : index
    %get3A_6 = arith.constant 0 : index
    %get3A_7 = arith.constant 0 : index
    %get3A_8 = arith.constant 0 : index
    %get3A_9 = vector.load %arg3[%get3A_5, %get3A_6, %get3A_7, %get3A_8] : memref<2x1x1x1000xf32, #tpu.memory_space<vmem>>, vector<1x1x1x1000xf32>
    %get3A_10 = vector.shape_cast %get3A_9 : vector<1x1x1x1000xf32> to vector<1000xf32>
    %add3A = arith.addf %get3A_4, %get3A_10 : vector<1000xf32>
    %add3A_11 = arith.constant 1.000000e+00 : f32
    %add3A_12 = vector.broadcast %add3A_11 : f32 to vector<1000xf32>
    %add3A_13 = arith.addf %add3A, %add3A_12 : vector<1000xf32>
    %rsqrt3A = math.rsqrt %add3A_13 : vector<1000xf32>
    %get3A_14 = arith.constant 0 : index
    %get3A_15 = arith.constant 0 : index
    %get3A_16 = vector.load %arg1[%get3A_14, %get3A_15] : memref<1000x128xf32, #tpu.memory_space<vmem>>, vector<1000x128xf32>
    %get3A_17 = arith.constant 0 : index
    %get3A_18 = arith.constant 0 : index
    %get3A_19 = vector.load %arg2[%get3A_17, %get3A_18] : memref<128x128xf32, #tpu.memory_space<vmem>>, vector<128x128xf32>
    %dot_general3A = arith.constant dense<0.000000e+00> : vector<1000x128xf32>
    %dot_general3A_20 = tpu.matmul %get3A_16, %get3A_19, %dot_general3A {dimension_numbers = #tpu.dot_dimension_numbers<[1], [0], [0], [1], [0, 0, 1, 1], [], []>, transpose_lhs_hint = false} : vector<1000x128xf32>, vector<128x128xf32>, vector<1000x128xf32> -> vector<1000x128xf32>
    %broadcast_in_dim3A = vector.shape_cast %rsqrt3A : vector<1000xf32> to vector<1000x1xf32>
    %mul3A = vector.broadcast %broadcast_in_dim3A : vector<1000x1xf32> to vector<1000x128xf32>
    %mul3A_21 = arith.mulf %dot_general3A_20, %mul3A : vector<1000x128xf32>
    %swap3A = arith.constant 0 : index
    %swap3A_22 = arith.constant 0 : index
    %swap3A_23 = vector.load %arg4[%swap3A, %swap3A_22] : memref<1000x128xf32, #tpu.memory_space<vmem>>, vector<1000x128xf32>
    tpu.vector_store %arg4[%swap3A, %swap3A_22], %mul3A_21 {strides = array<i32>} : memref<1000x128xf32, #tpu.memory_space<vmem>>, vector<1000x128xf32>,
    %swap3A_24 = arith.constant 0 : index
    %swap3A_25 = arith.constant 0 : index
    %swap3A_26 = arith.constant 0 : index
    %swap3A_27 = vector.load %arg5[%swap3A_24, %swap3A_25, %swap3A_26] : memref<1x1x1000xf32, #tpu.memory_space<vmem>>, vector<1x1x1000xf32>
    %swap3A_28 = vector.shape_cast %swap3A_27 : vector<1x1x1000xf32> to vector<1000xf32>
    %swap3A_29 = vector.shape_cast %rsqrt3A : vector<1000xf32> to vector<1x1x1000xf32>
    tpu.vector_store %arg5[%swap3A_24, %swap3A_25, %swap3A_26], %swap3A_29 {strides = array<i32>} : memref<1x1x1000xf32, #tpu.memory_space<vmem>>, vector<1x1x1000xf32>,
    return
  }
  func.func @transform_0(%arg0: i32) -> (i32, i32) {
    %c0_i32 = arith.constant 0 : i32
    %c0_i32_0 = arith.constant 0 : i32
    return %arg0, %c0_i32 : i32, i32
  }
  func.func @transform_1(%arg0: i32) -> (i32, i32) {
    %c0_i32 = arith.constant 0 : i32
    %c0_i32_0 = arith.constant 0 : i32
    %c0_i32_1 = arith.constant 0 : i32
    return %c0_i32, %c0_i32_0 : i32, i32
  }
  func.func @transform_2(%arg0: i32) -> (i32, i32, i32, i32) {
    %c0_i32 = arith.constant 0 : i32
    %c0_i32_0 = arith.constant 0 : i32
    %c0_i32_1 = arith.constant 0 : i32
    %c0_i32_2 = arith.constant 0 : i32
    return %c0_i32, %arg0, %c0_i32_0, %c0_i32_1 : i32, i32, i32, i32
  }
  func.func @transform_3(%arg0: i32) -> (i32, i32) {
    %c0_i32 = arith.constant 0 : i32
    %c0_i32_0 = arith.constant 0 : i32
    return %arg0, %c0_i32 : i32, i32
  }
  func.func @transform_4(%arg0: i32) -> (i32, i32, i32) {
    %c0_i32 = arith.constant 0 : i32
    %c0_i32_0 = arith.constant 0 : i32
    %c0_i32_1 = arith.constant 0 : i32
    return %arg0, %c0_i32, %c0_i32_0 : i32, i32, i32
  }
}

module attributes {stable_mosaic.version = 14 : i64} {
  func.func @_g_kernel(%arg0: i32, %arg1: memref<2x1000x128xf32, #tpu.memory_space<vmem>>, %arg2: memref<1000x128xf32, #tpu.memory_space<vmem>>, %arg3: memref<1x1x1000xf32, #tpu.memory_space<vmem>>, %arg4: memref<1x128xf32, #tpu.memory_space<vmem>>, %arg5: memref<512x128xf32, #tpu.memory_space<vmem>>, %arg6: memref<1x512xf32, #tpu.memory_space<vmem>>, %arg7: memref<1000x512xf32, #tpu.memory_space<vmem>>) attributes {dimension_semantics = [#tpu.dimension_semantics<arbitrary>], iteration_bounds = array<i64: 10>, scalar_prefetch = 0 : i64, scratch_operands = 0 : i64, tpu.core_type = #tpu.core_type<tc>, window_params = [{transform_indices = @transform_0, window_bounds = array<i64: 2, 1000, 128>}, {transform_indices = @transform_1, window_bounds = array<i64: 1000, 128>}, {transform_indices = @transform_2, window_bounds = array<i64: 1, 1, 1000>}, {pipeline_mode = #tpu.pipeline_mode<synchronous>, transform_indices = @transform_3, window_bounds = array<i64: 1, 128>}, {pipeline_mode = #tpu.pipeline_mode<synchronous>, transform_indices = @transform_4, window_bounds = array<i64: 512, 128>}, {pipeline_mode = #tpu.pipeline_mode<synchronous>, transform_indices = @transform_5, window_bounds = array<i64: 1, 512>}, {transform_indices = @transform_6, window_bounds = array<i64: 1000, 512>}]} {
    %get3A = arith.constant 0 : index
    %get3A_0 = arith.constant 0 : index
    %get3A_1 = arith.constant 0 : index
    %get3A_2 = vector.load %arg3[%get3A, %get3A_0, %get3A_1] : memref<1x1x1000xf32, #tpu.memory_space<vmem>>, vector<1x1x1000xf32>
    %get3A_3 = vector.shape_cast %get3A_2 : vector<1x1x1000xf32> to vector<1000xf32>
    %get3A_4 = arith.constant 0 : index
    %get3A_5 = arith.constant 0 : index
    %get3A_6 = arith.constant 0 : index
    %get3A_7 = vector.load %arg1[%get3A_4, %get3A_5, %get3A_6] : memref<2x1000x128xf32, #tpu.memory_space<vmem>>, vector<1x1000x128xf32>
    %get3A_8 = vector.shape_cast %get3A_7 : vector<1x1000x128xf32> to vector<1000x128xf32>
    %get3A_9 = arith.constant 1 : index
    %get3A_10 = arith.constant 0 : index
    %get3A_11 = arith.constant 0 : index
    %get3A_12 = vector.load %arg1[%get3A_9, %get3A_10, %get3A_11] : memref<2x1000x128xf32, #tpu.memory_space<vmem>>, vector<1x1000x128xf32>
    %get3A_13 = vector.shape_cast %get3A_12 : vector<1x1000x128xf32> to vector<1000x128xf32>
    %add3A = arith.addf %get3A_8, %get3A_13 : vector<1000x128xf32>
    %broadcast_in_dim3A = vector.shape_cast %get3A_3 : vector<1000xf32> to vector<1000x1xf32>
    %get3A_14 = arith.constant 0 : index
    %get3A_15 = arith.constant 0 : index
    %get3A_16 = vector.load %arg2[%get3A_14, %get3A_15] : memref<1000x128xf32, #tpu.memory_space<vmem>>, vector<1000x128xf32>
    %add3A_17 = arith.addf %add3A, %get3A_16 : vector<1000x128xf32>
    %mul3A = vector.broadcast %broadcast_in_dim3A : vector<1000x1xf32> to vector<1000x128xf32>
    %mul3A_18 = arith.mulf %mul3A, %add3A_17 : vector<1000x128xf32>
    %get3A_19 = arith.constant 0 : index
    %get3A_20 = arith.constant 0 : index
    %get3A_21 = vector.load %arg4[%get3A_19, %get3A_20] : memref<1x128xf32, #tpu.memory_space<vmem>>, vector<1x128xf32>
    %add3A_22 = vector.broadcast %get3A_21 : vector<1x128xf32> to vector<1000x128xf32>
    %add3A_23 = arith.addf %mul3A_18, %add3A_22 : vector<1000x128xf32>
    %get3A_24 = arith.constant 0 : index
    %get3A_25 = arith.constant 0 : index
    %get3A_26 = vector.load %arg5[%get3A_24, %get3A_25] : memref<512x128xf32, #tpu.memory_space<vmem>>, vector<512x128xf32>
    %dot_general3A = arith.constant dense<0.000000e+00> : vector<1000x512xf32>
    %dot_general3A_27 = tpu.matmul %add3A_23, %get3A_26, %dot_general3A {dimension_numbers = #tpu.dot_dimension_numbers<[1], [1], [0], [0], [0, 0, 1, 0], [], []>, transpose_lhs_hint = false} : vector<1000x128xf32>, vector<512x128xf32>, vector<1000x512xf32> -> vector<1000x512xf32>
    %get3A_28 = arith.constant 0 : index
    %get3A_29 = arith.constant 0 : index
    %get3A_30 = vector.load %arg6[%get3A_28, %get3A_29] : memref<1x512xf32, #tpu.memory_space<vmem>>, vector<1x512xf32>
    %add3A_31 = vector.broadcast %get3A_30 : vector<1x512xf32> to vector<1000x512xf32>
    %add3A_32 = arith.addf %dot_general3A_27, %add3A_31 : vector<1000x512xf32>
    %swap3A = arith.constant 0 : index
    %swap3A_33 = arith.constant 0 : index
    %swap3A_34 = vector.load %arg7[%swap3A, %swap3A_33] : memref<1000x512xf32, #tpu.memory_space<vmem>>, vector<1000x512xf32>
    tpu.vector_store %arg7[%swap3A, %swap3A_33], %add3A_32 {strides = array<i32>} : memref<1000x512xf32, #tpu.memory_space<vmem>>, vector<1000x512xf32>,
    return
  }
  func.func @transform_0(%arg0: i32) -> (i32, i32, i32) {
    %c0_i32 = arith.constant 0 : i32
    %c0_i32_0 = arith.constant 0 : i32
    %c0_i32_1 = arith.constant 0 : i32
    return %c0_i32, %arg0, %c0_i32_0 : i32, i32, i32
  }
  func.func @transform_1(%arg0: i32) -> (i32, i32) {
    %c0_i32 = arith.constant 0 : i32
    %c0_i32_0 = arith.constant 0 : i32
    return %arg0, %c0_i32 : i32, i32
  }
  func.func @transform_2(%arg0: i32) -> (i32, i32, i32) {
    %c0_i32 = arith.constant 0 : i32
    %c0_i32_0 = arith.constant 0 : i32
    %c0_i32_1 = arith.constant 0 : i32
    return %arg0, %c0_i32, %c0_i32_0 : i32, i32, i32
  }
  func.func @transform_3(%arg0: i32) -> (i32, i32) {
    %c0_i32 = arith.constant 0 : i32
    %c0_i32_0 = arith.constant 0 : i32
    %c0_i32_1 = arith.constant 0 : i32
    return %c0_i32, %c0_i32_0 : i32, i32
  }
  func.func @transform_4(%arg0: i32) -> (i32, i32) {
    %c0_i32 = arith.constant 0 : i32
    %c0_i32_0 = arith.constant 0 : i32
    %c0_i32_1 = arith.constant 0 : i32
    return %c0_i32, %c0_i32_0 : i32, i32
  }
  func.func @transform_5(%arg0: i32) -> (i32, i32) {
    %c0_i32 = arith.constant 0 : i32
    %c0_i32_0 = arith.constant 0 : i32
    %c0_i32_1 = arith.constant 0 : i32
    return %c0_i32, %c0_i32_0 : i32, i32
  }
  func.func @transform_6(%arg0: i32) -> (i32, i32) {
    %c0_i32 = arith.constant 0 : i32
    %c0_i32_0 = arith.constant 0 : i32
    return %arg0, %c0_i32 : i32, i32
  }
}

module attributes {stable_mosaic.version = 14 : i64} {
  func.func @_lstm_kernel(%arg0: i32, %arg1: memref<125x8x512xf32, #tpu.memory_space<vmem>>, %arg2: memref<128x512xf32, #tpu.memory_space<vmem>>, %arg3: memref<1x128xf32, #tpu.memory_space<vmem>>, %arg4: memref<1x128xf32, #tpu.memory_space<vmem>>, %arg5: memref<125x8x128xf32, #tpu.memory_space<vmem>>, %arg6: memref<1x128xf32, #tpu.memory_space<vmem>>, %arg7: memref<1x128xf32, #tpu.memory_space<vmem>>, %arg8: memref<1x128xf32, #tpu.memory_space<vmem>>, %arg9: memref<1x128xf32, #tpu.memory_space<vmem>>) attributes {dimension_semantics = [#tpu.dimension_semantics<arbitrary>], iteration_bounds = array<i64: 10>, scalar_prefetch = 0 : i64, scratch_operands = 2 : i64, tpu.core_type = #tpu.core_type<tc>, window_params = [{transform_indices = @transform_0, window_bounds = array<i64: 125, 8, 512>}, {pipeline_mode = #tpu.pipeline_mode<synchronous>, transform_indices = @transform_1, window_bounds = array<i64: 128, 512>}, {pipeline_mode = #tpu.pipeline_mode<synchronous>, transform_indices = @transform_2, window_bounds = array<i64: 1, 128>}, {pipeline_mode = #tpu.pipeline_mode<synchronous>, transform_indices = @transform_3, window_bounds = array<i64: 1, 128>}, {transform_indices = @transform_4, window_bounds = array<i64: 125, 8, 128>}, {pipeline_mode = #tpu.pipeline_mode<synchronous>, transform_indices = @transform_5, window_bounds = array<i64: 1, 128>}, {pipeline_mode = #tpu.pipeline_mode<synchronous>, transform_indices = @transform_6, window_bounds = array<i64: 1, 128>}]} {
    %eq3A = arith.constant 0 : i32
    %eq3A_0 = arith.cmpi eq, %arg0, %eq3A : i32
    %convert_element_type3A = arith.extui %eq3A_0 : i1 to i32
    %cond3A = arith.constant 0 : i32
    %cond3A_1 = arith.cmpi ne, %convert_element_type3A, %cond3A : i32
    scf.if %cond3A_1 {
      %get3A_26 = arith.constant 0 : index
      %get3A_27 = arith.constant 0 : index
      %get3A_28 = vector.load %arg3[%get3A_26, %get3A_27] : memref<1x128xf32, #tpu.memory_space<vmem>>, vector<1x128xf32>
      %swap3A_29 = arith.constant 0 : index
      %swap3A_30 = arith.constant 0 : index
      %swap3A_31 = vector.load %arg8[%swap3A_29, %swap3A_30] : memref<1x128xf32, #tpu.memory_space<vmem>>, vector<1x128xf32>
      tpu.vector_store %arg8[%swap3A_29, %swap3A_30], %get3A_28 {strides = array<i32>} : memref<1x128xf32, #tpu.memory_space<vmem>>, vector<1x128xf32>,
      %get3A_32 = arith.constant 0 : index
      %get3A_33 = arith.constant 0 : index
      %get3A_34 = vector.load %arg4[%get3A_32, %get3A_33] : memref<1x128xf32, #tpu.memory_space<vmem>>, vector<1x128xf32>
      %swap3A_35 = arith.constant 0 : index
      %swap3A_36 = arith.constant 0 : index
      %swap3A_37 = vector.load %arg9[%swap3A_35, %swap3A_36] : memref<1x128xf32, #tpu.memory_space<vmem>>, vector<1x128xf32>
      tpu.vector_store %arg9[%swap3A_35, %swap3A_36], %get3A_34 {strides = array<i32>} : memref<1x128xf32, #tpu.memory_space<vmem>>, vector<1x128xf32>,
    } else {
    }
    %get3A = arith.constant 0 : index
    %get3A_2 = arith.constant 0 : index
    %get3A_3 = vector.load %arg2[%get3A, %get3A_2] : memref<128x512xf32, #tpu.memory_space<vmem>>, vector<128x512xf32>
    %get3A_4 = arith.constant 0 : index
    %get3A_5 = arith.constant 0 : index
    %get3A_6 = vector.load %arg8[%get3A_4, %get3A_5] : memref<1x128xf32, #tpu.memory_space<vmem>>, vector<1x128xf32>
    %get3A_7 = arith.constant 0 : index
    %get3A_8 = arith.constant 0 : index
    %get3A_9 = vector.load %arg9[%get3A_7, %get3A_8] : memref<1x128xf32, #tpu.memory_space<vmem>>, vector<1x128xf32>
    %scan3A = arith.constant 0 : i32
    %scan3A_10 = arith.constant 125 : i32
    %scan3A_11 = arith.addi %scan3A, %scan3A_10 : i32
    %scan3A_12 = arith.constant 1 : i32
    %scan3A_13:2 = scf.for %scan3A_26 = %scan3A to %scan3A_11 step %scan3A_12 iter_args(%scan3A_27 = %get3A_6, %scan3A_28 = %get3A_9) -> (vector<1x128xf32>, vector<1x128xf32>)  : i32 {
      %get3A_29 = arith.index_cast %scan3A_26 : i32 to index
      %get3A_30 = arith.constant 0 : index
      %get3A_31 = arith.constant 0 : index
      %get3A_32 = vector.load %arg1[%get3A_29, %get3A_30, %get3A_31] : memref<125x8x512xf32, #tpu.memory_space<vmem>>, vector<1x8x512xf32>
      %get3A_33 = vector.shape_cast %get3A_32 : vector<1x8x512xf32> to vector<8x512xf32>
      %slice3A = vector.extract_strided_slice %get3A_33 {offsets = [0, 0], sizes = [1, 512], strides = [1, 1]} : vector<8x512xf32> to vector<1x512xf32>
      %dot_general3A = arith.constant dense<0.000000e+00> : vector<1x512xf32>
      %dot_general3A_34 = tpu.matmul %scan3A_27, %get3A_3, %dot_general3A {dimension_numbers = #tpu.dot_dimension_numbers<[1], [0], [0], [1], [0, 0, 1, 1], [], []>, transpose_lhs_hint = false} : vector<1x128xf32>, vector<128x512xf32>, vector<1x512xf32> -> vector<1x512xf32>
      %add3A = arith.addf %slice3A, %dot_general3A_34 : vector<1x512xf32>
      %slice3A_35 = vector.extract_strided_slice %add3A {offsets = [0, 0], sizes = [1, 128], strides = [1, 1]} : vector<1x512xf32> to vector<1x128xf32>
      %mul3A = arith.constant 5.000000e-01 : f32
      %mul3A_36 = vector.broadcast %mul3A : f32 to vector<1x128xf32>
      %mul3A_37 = arith.mulf %slice3A_35, %mul3A_36 : vector<1x128xf32>
      %tanh3A = math.tanh %mul3A_37 : vector<1x128xf32>
      %mul3A_38 = arith.constant 5.000000e-01 : f32
      %mul3A_39 = vector.broadcast %mul3A_38 : f32 to vector<1x128xf32>
      %mul3A_40 = arith.mulf %mul3A_39, %tanh3A : vector<1x128xf32>
      %add3A_41 = arith.constant 5.000000e-01 : f32
      %add3A_42 = vector.broadcast %add3A_41 : f32 to vector<1x128xf32>
      %add3A_43 = arith.addf %mul3A_40, %add3A_42 : vector<1x128xf32>
      %slice3A_44 = vector.extract_strided_slice %add3A {offsets = [0, 128], sizes = [1, 128], strides = [1, 1]} : vector<1x512xf32> to vector<1x128xf32>
      %mul3A_45 = arith.constant 5.000000e-01 : f32
      %mul3A_46 = vector.broadcast %mul3A_45 : f32 to vector<1x128xf32>
      %mul3A_47 = arith.mulf %slice3A_44, %mul3A_46 : vector<1x128xf32>
      %tanh3A_48 = math.tanh %mul3A_47 : vector<1x128xf32>
      %mul3A_49 = arith.constant 5.000000e-01 : f32
      %mul3A_50 = vector.broadcast %mul3A_49 : f32 to vector<1x128xf32>
      %mul3A_51 = arith.mulf %mul3A_50, %tanh3A_48 : vector<1x128xf32>
      %add3A_52 = arith.constant 5.000000e-01 : f32
      %add3A_53 = vector.broadcast %add3A_52 : f32 to vector<1x128xf32>
      %add3A_54 = arith.addf %mul3A_51, %add3A_53 : vector<1x128xf32>
      %slice3A_55 = vector.extract_strided_slice %add3A {offsets = [0, 256], sizes = [1, 128], strides = [1, 1]} : vector<1x512xf32> to vector<1x128xf32>
      %tanh3A_56 = math.tanh %slice3A_55 : vector<1x128xf32>
      %slice3A_57 = vector.extract_strided_slice %add3A {offsets = [0, 384], sizes = [1, 128], strides = [1, 1]} : vector<1x512xf32> to vector<1x128xf32>
      %mul3A_58 = arith.constant 5.000000e-01 : f32
      %mul3A_59 = vector.broadcast %mul3A_58 : f32 to vector<1x128xf32>
      %mul3A_60 = arith.mulf %slice3A_57, %mul3A_59 : vector<1x128xf32>
      %tanh3A_61 = math.tanh %mul3A_60 : vector<1x128xf32>
      %mul3A_62 = arith.constant 5.000000e-01 : f32
      %mul3A_63 = vector.broadcast %mul3A_62 : f32 to vector<1x128xf32>
      %mul3A_64 = arith.mulf %mul3A_63, %tanh3A_61 : vector<1x128xf32>
      %add3A_65 = arith.constant 5.000000e-01 : f32
      %add3A_66 = vector.broadcast %add3A_65 : f32 to vector<1x128xf32>
      %add3A_67 = arith.addf %mul3A_64, %add3A_66 : vector<1x128xf32>
      %mul3A_68 = arith.mulf %add3A_54, %scan3A_28 : vector<1x128xf32>
      %mul3A_69 = arith.mulf %add3A_43, %tanh3A_56 : vector<1x128xf32>
      %add3A_70 = arith.addf %mul3A_68, %mul3A_69 : vector<1x128xf32>
      %tanh3A_71 = math.tanh %add3A_70 : vector<1x128xf32>
      %mul3A_72 = arith.mulf %add3A_67, %tanh3A_71 : vector<1x128xf32>
      %slice3A_73 = vector.extract_strided_slice %get3A_33 {offsets = [1, 0], sizes = [1, 512], strides = [1, 1]} : vector<8x512xf32> to vector<1x512xf32>
      %dot_general3A_74 = arith.constant dense<0.000000e+00> : vector<1x512xf32>
      %dot_general3A_75 = tpu.matmul %mul3A_72, %get3A_3, %dot_general3A_74 {dimension_numbers = #tpu.dot_dimension_numbers<[1], [0], [0], [1], [0, 0, 1, 1], [], []>, transpose_lhs_hint = false} : vector<1x128xf32>, vector<128x512xf32>, vector<1x512xf32> -> vector<1x512xf32>
      %add3A_76 = arith.addf %slice3A_73, %dot_general3A_75 : vector<1x512xf32>
      %slice3A_77 = vector.extract_strided_slice %add3A_76 {offsets = [0, 0], sizes = [1, 128], strides = [1, 1]} : vector<1x512xf32> to vector<1x128xf32>
      %mul3A_78 = arith.constant 5.000000e-01 : f32
      %mul3A_79 = vector.broadcast %mul3A_78 : f32 to vector<1x128xf32>
      %mul3A_80 = arith.mulf %slice3A_77, %mul3A_79 : vector<1x128xf32>
      %tanh3A_81 = math.tanh %mul3A_80 : vector<1x128xf32>
      %mul3A_82 = arith.constant 5.000000e-01 : f32
      %mul3A_83 = vector.broadcast %mul3A_82 : f32 to vector<1x128xf32>
      %mul3A_84 = arith.mulf %mul3A_83, %tanh3A_81 : vector<1x128xf32>
      %add3A_85 = arith.constant 5.000000e-01 : f32
      %add3A_86 = vector.broadcast %add3A_85 : f32 to vector<1x128xf32>
      %add3A_87 = arith.addf %mul3A_84, %add3A_86 : vector<1x128xf32>
      %slice3A_88 = vector.extract_strided_slice %add3A_76 {offsets = [0, 128], sizes = [1, 128], strides = [1, 1]} : vector<1x512xf32> to vector<1x128xf32>
      %mul3A_89 = arith.constant 5.000000e-01 : f32
      %mul3A_90 = vector.broadcast %mul3A_89 : f32 to vector<1x128xf32>
      %mul3A_91 = arith.mulf %slice3A_88, %mul3A_90 : vector<1x128xf32>
      %tanh3A_92 = math.tanh %mul3A_91 : vector<1x128xf32>
      %mul3A_93 = arith.constant 5.000000e-01 : f32
      %mul3A_94 = vector.broadcast %mul3A_93 : f32 to vector<1x128xf32>
      %mul3A_95 = arith.mulf %mul3A_94, %tanh3A_92 : vector<1x128xf32>
      %add3A_96 = arith.constant 5.000000e-01 : f32
      %add3A_97 = vector.broadcast %add3A_96 : f32 to vector<1x128xf32>
      %add3A_98 = arith.addf %mul3A_95, %add3A_97 : vector<1x128xf32>
      %slice3A_99 = vector.extract_strided_slice %add3A_76 {offsets = [0, 256], sizes = [1, 128], strides = [1, 1]} : vector<1x512xf32> to vector<1x128xf32>
      %tanh3A_100 = math.tanh %slice3A_99 : vector<1x128xf32>
      %slice3A_101 = vector.extract_strided_slice %add3A_76 {offsets = [0, 384], sizes = [1, 128], strides = [1, 1]} : vector<1x512xf32> to vector<1x128xf32>
      %mul3A_102 = arith.constant 5.000000e-01 : f32
      %mul3A_103 = vector.broadcast %mul3A_102 : f32 to vector<1x128xf32>
      %mul3A_104 = arith.mulf %slice3A_101, %mul3A_103 : vector<1x128xf32>
      %tanh3A_105 = math.tanh %mul3A_104 : vector<1x128xf32>
      %mul3A_106 = arith.constant 5.000000e-01 : f32
      %mul3A_107 = vector.broadcast %mul3A_106 : f32 to vector<1x128xf32>
      %mul3A_108 = arith.mulf %mul3A_107, %tanh3A_105 : vector<1x128xf32>
      %add3A_109 = arith.constant 5.000000e-01 : f32
      %add3A_110 = vector.broadcast %add3A_109 : f32 to vector<1x128xf32>
      %add3A_111 = arith.addf %mul3A_108, %add3A_110 : vector<1x128xf32>
      %mul3A_112 = arith.mulf %add3A_98, %add3A_70 : vector<1x128xf32>
      %mul3A_113 = arith.mulf %add3A_87, %tanh3A_100 : vector<1x128xf32>
      %add3A_114 = arith.addf %mul3A_112, %mul3A_113 : vector<1x128xf32>
      %tanh3A_115 = math.tanh %add3A_114 : vector<1x128xf32>
      %mul3A_116 = arith.mulf %add3A_111, %tanh3A_115 : vector<1x128xf32>
      %slice3A_117 = vector.extract_strided_slice %get3A_33 {offsets = [2, 0], sizes = [1, 512], strides = [1, 1]} : vector<8x512xf32> to vector<1x512xf32>
      %dot_general3A_118 = arith.constant dense<0.000000e+00> : vector<1x512xf32>
      %dot_general3A_119 = tpu.matmul %mul3A_116, %get3A_3, %dot_general3A_118 {dimension_numbers = #tpu.dot_dimension_numbers<[1], [0], [0], [1], [0, 0, 1, 1], [], []>, transpose_lhs_hint = false} : vector<1x128xf32>, vector<128x512xf32>, vector<1x512xf32> -> vector<1x512xf32>
      %add3A_120 = arith.addf %slice3A_117, %dot_general3A_119 : vector<1x512xf32>
      %slice3A_121 = vector.extract_strided_slice %add3A_120 {offsets = [0, 0], sizes = [1, 128], strides = [1, 1]} : vector<1x512xf32> to vector<1x128xf32>
      %mul3A_122 = arith.constant 5.000000e-01 : f32
      %mul3A_123 = vector.broadcast %mul3A_122 : f32 to vector<1x128xf32>
      %mul3A_124 = arith.mulf %slice3A_121, %mul3A_123 : vector<1x128xf32>
      %tanh3A_125 = math.tanh %mul3A_124 : vector<1x128xf32>
      %mul3A_126 = arith.constant 5.000000e-01 : f32
      %mul3A_127 = vector.broadcast %mul3A_126 : f32 to vector<1x128xf32>
      %mul3A_128 = arith.mulf %mul3A_127, %tanh3A_125 : vector<1x128xf32>
      %add3A_129 = arith.constant 5.000000e-01 : f32
      %add3A_130 = vector.broadcast %add3A_129 : f32 to vector<1x128xf32>
      %add3A_131 = arith.addf %mul3A_128, %add3A_130 : vector<1x128xf32>
      %slice3A_132 = vector.extract_strided_slice %add3A_120 {offsets = [0, 128], sizes = [1, 128], strides = [1, 1]} : vector<1x512xf32> to vector<1x128xf32>
      %mul3A_133 = arith.constant 5.000000e-01 : f32
      %mul3A_134 = vector.broadcast %mul3A_133 : f32 to vector<1x128xf32>
      %mul3A_135 = arith.mulf %slice3A_132, %mul3A_134 : vector<1x128xf32>
      %tanh3A_136 = math.tanh %mul3A_135 : vector<1x128xf32>
      %mul3A_137 = arith.constant 5.000000e-01 : f32
      %mul3A_138 = vector.broadcast %mul3A_137 : f32 to vector<1x128xf32>
      %mul3A_139 = arith.mulf %mul3A_138, %tanh3A_136 : vector<1x128xf32>
      %add3A_140 = arith.constant 5.000000e-01 : f32
      %add3A_141 = vector.broadcast %add3A_140 : f32 to vector<1x128xf32>
      %add3A_142 = arith.addf %mul3A_139, %add3A_141 : vector<1x128xf32>
      %slice3A_143 = vector.extract_strided_slice %add3A_120 {offsets = [0, 256], sizes = [1, 128], strides = [1, 1]} : vector<1x512xf32> to vector<1x128xf32>
      %tanh3A_144 = math.tanh %slice3A_143 : vector<1x128xf32>
      %slice3A_145 = vector.extract_strided_slice %add3A_120 {offsets = [0, 384], sizes = [1, 128], strides = [1, 1]} : vector<1x512xf32> to vector<1x128xf32>
      %mul3A_146 = arith.constant 5.000000e-01 : f32
      %mul3A_147 = vector.broadcast %mul3A_146 : f32 to vector<1x128xf32>
      %mul3A_148 = arith.mulf %slice3A_145, %mul3A_147 : vector<1x128xf32>
      %tanh3A_149 = math.tanh %mul3A_148 : vector<1x128xf32>
      %mul3A_150 = arith.constant 5.000000e-01 : f32
      %mul3A_151 = vector.broadcast %mul3A_150 : f32 to vector<1x128xf32>
      %mul3A_152 = arith.mulf %mul3A_151, %tanh3A_149 : vector<1x128xf32>
      %add3A_153 = arith.constant 5.000000e-01 : f32
      %add3A_154 = vector.broadcast %add3A_153 : f32 to vector<1x128xf32>
      %add3A_155 = arith.addf %mul3A_152, %add3A_154 : vector<1x128xf32>
      %mul3A_156 = arith.mulf %add3A_142, %add3A_114 : vector<1x128xf32>
      %mul3A_157 = arith.mulf %add3A_131, %tanh3A_144 : vector<1x128xf32>
      %add3A_158 = arith.addf %mul3A_156, %mul3A_157 : vector<1x128xf32>
      %tanh3A_159 = math.tanh %add3A_158 : vector<1x128xf32>
      %mul3A_160 = arith.mulf %add3A_155, %tanh3A_159 : vector<1x128xf32>
      %slice3A_161 = vector.extract_strided_slice %get3A_33 {offsets = [3, 0], sizes = [1, 512], strides = [1, 1]} : vector<8x512xf32> to vector<1x512xf32>
      %dot_general3A_162 = arith.constant dense<0.000000e+00> : vector<1x512xf32>
      %dot_general3A_163 = tpu.matmul %mul3A_160, %get3A_3, %dot_general3A_162 {dimension_numbers = #tpu.dot_dimension_numbers<[1], [0], [0], [1], [0, 0, 1, 1], [], []>, transpose_lhs_hint = false} : vector<1x128xf32>, vector<128x512xf32>, vector<1x512xf32> -> vector<1x512xf32>
      %add3A_164 = arith.addf %slice3A_161, %dot_general3A_163 : vector<1x512xf32>
      %slice3A_165 = vector.extract_strided_slice %add3A_164 {offsets = [0, 0], sizes = [1, 128], strides = [1, 1]} : vector<1x512xf32> to vector<1x128xf32>
      %mul3A_166 = arith.constant 5.000000e-01 : f32
      %mul3A_167 = vector.broadcast %mul3A_166 : f32 to vector<1x128xf32>
      %mul3A_168 = arith.mulf %slice3A_165, %mul3A_167 : vector<1x128xf32>
      %tanh3A_169 = math.tanh %mul3A_168 : vector<1x128xf32>
      %mul3A_170 = arith.constant 5.000000e-01 : f32
      %mul3A_171 = vector.broadcast %mul3A_170 : f32 to vector<1x128xf32>
      %mul3A_172 = arith.mulf %mul3A_171, %tanh3A_169 : vector<1x128xf32>
      %add3A_173 = arith.constant 5.000000e-01 : f32
      %add3A_174 = vector.broadcast %add3A_173 : f32 to vector<1x128xf32>
      %add3A_175 = arith.addf %mul3A_172, %add3A_174 : vector<1x128xf32>
      %slice3A_176 = vector.extract_strided_slice %add3A_164 {offsets = [0, 128], sizes = [1, 128], strides = [1, 1]} : vector<1x512xf32> to vector<1x128xf32>
      %mul3A_177 = arith.constant 5.000000e-01 : f32
      %mul3A_178 = vector.broadcast %mul3A_177 : f32 to vector<1x128xf32>
      %mul3A_179 = arith.mulf %slice3A_176, %mul3A_178 : vector<1x128xf32>
      %tanh3A_180 = math.tanh %mul3A_179 : vector<1x128xf32>
      %mul3A_181 = arith.constant 5.000000e-01 : f32
      %mul3A_182 = vector.broadcast %mul3A_181 : f32 to vector<1x128xf32>
      %mul3A_183 = arith.mulf %mul3A_182, %tanh3A_180 : vector<1x128xf32>
      %add3A_184 = arith.constant 5.000000e-01 : f32
      %add3A_185 = vector.broadcast %add3A_184 : f32 to vector<1x128xf32>
      %add3A_186 = arith.addf %mul3A_183, %add3A_185 : vector<1x128xf32>
      %slice3A_187 = vector.extract_strided_slice %add3A_164 {offsets = [0, 256], sizes = [1, 128], strides = [1, 1]} : vector<1x512xf32> to vector<1x128xf32>
      %tanh3A_188 = math.tanh %slice3A_187 : vector<1x128xf32>
      %slice3A_189 = vector.extract_strided_slice %add3A_164 {offsets = [0, 384], sizes = [1, 128], strides = [1, 1]} : vector<1x512xf32> to vector<1x128xf32>
      %mul3A_190 = arith.constant 5.000000e-01 : f32
      %mul3A_191 = vector.broadcast %mul3A_190 : f32 to vector<1x128xf32>
      %mul3A_192 = arith.mulf %slice3A_189, %mul3A_191 : vector<1x128xf32>
      %tanh3A_193 = math.tanh %mul3A_192 : vector<1x128xf32>
      %mul3A_194 = arith.constant 5.000000e-01 : f32
      %mul3A_195 = vector.broadcast %mul3A_194 : f32 to vector<1x128xf32>
      %mul3A_196 = arith.mulf %mul3A_195, %tanh3A_193 : vector<1x128xf32>
      %add3A_197 = arith.constant 5.000000e-01 : f32
      %add3A_198 = vector.broadcast %add3A_197 : f32 to vector<1x128xf32>
      %add3A_199 = arith.addf %mul3A_196, %add3A_198 : vector<1x128xf32>
      %mul3A_200 = arith.mulf %add3A_186, %add3A_158 : vector<1x128xf32>
      %mul3A_201 = arith.mulf %add3A_175, %tanh3A_188 : vector<1x128xf32>
      %add3A_202 = arith.addf %mul3A_200, %mul3A_201 : vector<1x128xf32>
      %tanh3A_203 = math.tanh %add3A_202 : vector<1x128xf32>
      %mul3A_204 = arith.mulf %add3A_199, %tanh3A_203 : vector<1x128xf32>
      %slice3A_205 = vector.extract_strided_slice %get3A_33 {offsets = [4, 0], sizes = [1, 512], strides = [1, 1]} : vector<8x512xf32> to vector<1x512xf32>
      %dot_general3A_206 = arith.constant dense<0.000000e+00> : vector<1x512xf32>
      %dot_general3A_207 = tpu.matmul %mul3A_204, %get3A_3, %dot_general3A_206 {dimension_numbers = #tpu.dot_dimension_numbers<[1], [0], [0], [1], [0, 0, 1, 1], [], []>, transpose_lhs_hint = false} : vector<1x128xf32>, vector<128x512xf32>, vector<1x512xf32> -> vector<1x512xf32>
      %add3A_208 = arith.addf %slice3A_205, %dot_general3A_207 : vector<1x512xf32>
      %slice3A_209 = vector.extract_strided_slice %add3A_208 {offsets = [0, 0], sizes = [1, 128], strides = [1, 1]} : vector<1x512xf32> to vector<1x128xf32>
      %mul3A_210 = arith.constant 5.000000e-01 : f32
      %mul3A_211 = vector.broadcast %mul3A_210 : f32 to vector<1x128xf32>
      %mul3A_212 = arith.mulf %slice3A_209, %mul3A_211 : vector<1x128xf32>
      %tanh3A_213 = math.tanh %mul3A_212 : vector<1x128xf32>
      %mul3A_214 = arith.constant 5.000000e-01 : f32
      %mul3A_215 = vector.broadcast %mul3A_214 : f32 to vector<1x128xf32>
      %mul3A_216 = arith.mulf %mul3A_215, %tanh3A_213 : vector<1x128xf32>
      %add3A_217 = arith.constant 5.000000e-01 : f32
      %add3A_218 = vector.broadcast %add3A_217 : f32 to vector<1x128xf32>
      %add3A_219 = arith.addf %mul3A_216, %add3A_218 : vector<1x128xf32>
      %slice3A_220 = vector.extract_strided_slice %add3A_208 {offsets = [0, 128], sizes = [1, 128], strides = [1, 1]} : vector<1x512xf32> to vector<1x128xf32>
      %mul3A_221 = arith.constant 5.000000e-01 : f32
      %mul3A_222 = vector.broadcast %mul3A_221 : f32 to vector<1x128xf32>
      %mul3A_223 = arith.mulf %slice3A_220, %mul3A_222 : vector<1x128xf32>
      %tanh3A_224 = math.tanh %mul3A_223 : vector<1x128xf32>
      %mul3A_225 = arith.constant 5.000000e-01 : f32
      %mul3A_226 = vector.broadcast %mul3A_225 : f32 to vector<1x128xf32>
      %mul3A_227 = arith.mulf %mul3A_226, %tanh3A_224 : vector<1x128xf32>
      %add3A_228 = arith.constant 5.000000e-01 : f32
      %add3A_229 = vector.broadcast %add3A_228 : f32 to vector<1x128xf32>
      %add3A_230 = arith.addf %mul3A_227, %add3A_229 : vector<1x128xf32>
      %slice3A_231 = vector.extract_strided_slice %add3A_208 {offsets = [0, 256], sizes = [1, 128], strides = [1, 1]} : vector<1x512xf32> to vector<1x128xf32>
      %tanh3A_232 = math.tanh %slice3A_231 : vector<1x128xf32>
      %slice3A_233 = vector.extract_strided_slice %add3A_208 {offsets = [0, 384], sizes = [1, 128], strides = [1, 1]} : vector<1x512xf32> to vector<1x128xf32>
      %mul3A_234 = arith.constant 5.000000e-01 : f32
      %mul3A_235 = vector.broadcast %mul3A_234 : f32 to vector<1x128xf32>
      %mul3A_236 = arith.mulf %slice3A_233, %mul3A_235 : vector<1x128xf32>
      %tanh3A_237 = math.tanh %mul3A_236 : vector<1x128xf32>
      %mul3A_238 = arith.constant 5.000000e-01 : f32
      %mul3A_239 = vector.broadcast %mul3A_238 : f32 to vector<1x128xf32>
      %mul3A_240 = arith.mulf %mul3A_239, %tanh3A_237 : vector<1x128xf32>
      %add3A_241 = arith.constant 5.000000e-01 : f32
      %add3A_242 = vector.broadcast %add3A_241 : f32 to vector<1x128xf32>
      %add3A_243 = arith.addf %mul3A_240, %add3A_242 : vector<1x128xf32>
      %mul3A_244 = arith.mulf %add3A_230, %add3A_202 : vector<1x128xf32>
      %mul3A_245 = arith.mulf %add3A_219, %tanh3A_232 : vector<1x128xf32>
      %add3A_246 = arith.addf %mul3A_244, %mul3A_245 : vector<1x128xf32>
      %tanh3A_247 = math.tanh %add3A_246 : vector<1x128xf32>
      %mul3A_248 = arith.mulf %add3A_243, %tanh3A_247 : vector<1x128xf32>
      %slice3A_249 = vector.extract_strided_slice %get3A_33 {offsets = [5, 0], sizes = [1, 512], strides = [1, 1]} : vector<8x512xf32> to vector<1x512xf32>
      %dot_general3A_250 = arith.constant dense<0.000000e+00> : vector<1x512xf32>
      %dot_general3A_251 = tpu.matmul %mul3A_248, %get3A_3, %dot_general3A_250 {dimension_numbers = #tpu.dot_dimension_numbers<[1], [0], [0], [1], [0, 0, 1, 1], [], []>, transpose_lhs_hint = false} : vector<1x128xf32>, vector<128x512xf32>, vector<1x512xf32> -> vector<1x512xf32>
      %add3A_252 = arith.addf %slice3A_249, %dot_general3A_251 : vector<1x512xf32>
      %slice3A_253 = vector.extract_strided_slice %add3A_252 {offsets = [0, 0], sizes = [1, 128], strides = [1, 1]} : vector<1x512xf32> to vector<1x128xf32>
      %mul3A_254 = arith.constant 5.000000e-01 : f32
      %mul3A_255 = vector.broadcast %mul3A_254 : f32 to vector<1x128xf32>
      %mul3A_256 = arith.mulf %slice3A_253, %mul3A_255 : vector<1x128xf32>
      %tanh3A_257 = math.tanh %mul3A_256 : vector<1x128xf32>
      %mul3A_258 = arith.constant 5.000000e-01 : f32
      %mul3A_259 = vector.broadcast %mul3A_258 : f32 to vector<1x128xf32>
      %mul3A_260 = arith.mulf %mul3A_259, %tanh3A_257 : vector<1x128xf32>
      %add3A_261 = arith.constant 5.000000e-01 : f32
      %add3A_262 = vector.broadcast %add3A_261 : f32 to vector<1x128xf32>
      %add3A_263 = arith.addf %mul3A_260, %add3A_262 : vector<1x128xf32>
      %slice3A_264 = vector.extract_strided_slice %add3A_252 {offsets = [0, 128], sizes = [1, 128], strides = [1, 1]} : vector<1x512xf32> to vector<1x128xf32>
      %mul3A_265 = arith.constant 5.000000e-01 : f32
      %mul3A_266 = vector.broadcast %mul3A_265 : f32 to vector<1x128xf32>
      %mul3A_267 = arith.mulf %slice3A_264, %mul3A_266 : vector<1x128xf32>
      %tanh3A_268 = math.tanh %mul3A_267 : vector<1x128xf32>
      %mul3A_269 = arith.constant 5.000000e-01 : f32
      %mul3A_270 = vector.broadcast %mul3A_269 : f32 to vector<1x128xf32>
      %mul3A_271 = arith.mulf %mul3A_270, %tanh3A_268 : vector<1x128xf32>
      %add3A_272 = arith.constant 5.000000e-01 : f32
      %add3A_273 = vector.broadcast %add3A_272 : f32 to vector<1x128xf32>
      %add3A_274 = arith.addf %mul3A_271, %add3A_273 : vector<1x128xf32>
      %slice3A_275 = vector.extract_strided_slice %add3A_252 {offsets = [0, 256], sizes = [1, 128], strides = [1, 1]} : vector<1x512xf32> to vector<1x128xf32>
      %tanh3A_276 = math.tanh %slice3A_275 : vector<1x128xf32>
      %slice3A_277 = vector.extract_strided_slice %add3A_252 {offsets = [0, 384], sizes = [1, 128], strides = [1, 1]} : vector<1x512xf32> to vector<1x128xf32>
      %mul3A_278 = arith.constant 5.000000e-01 : f32
      %mul3A_279 = vector.broadcast %mul3A_278 : f32 to vector<1x128xf32>
      %mul3A_280 = arith.mulf %slice3A_277, %mul3A_279 : vector<1x128xf32>
      %tanh3A_281 = math.tanh %mul3A_280 : vector<1x128xf32>
      %mul3A_282 = arith.constant 5.000000e-01 : f32
      %mul3A_283 = vector.broadcast %mul3A_282 : f32 to vector<1x128xf32>
      %mul3A_284 = arith.mulf %mul3A_283, %tanh3A_281 : vector<1x128xf32>
      %add3A_285 = arith.constant 5.000000e-01 : f32
      %add3A_286 = vector.broadcast %add3A_285 : f32 to vector<1x128xf32>
      %add3A_287 = arith.addf %mul3A_284, %add3A_286 : vector<1x128xf32>
      %mul3A_288 = arith.mulf %add3A_274, %add3A_246 : vector<1x128xf32>
      %mul3A_289 = arith.mulf %add3A_263, %tanh3A_276 : vector<1x128xf32>
      %add3A_290 = arith.addf %mul3A_288, %mul3A_289 : vector<1x128xf32>
      %tanh3A_291 = math.tanh %add3A_290 : vector<1x128xf32>
      %mul3A_292 = arith.mulf %add3A_287, %tanh3A_291 : vector<1x128xf32>
      %slice3A_293 = vector.extract_strided_slice %get3A_33 {offsets = [6, 0], sizes = [1, 512], strides = [1, 1]} : vector<8x512xf32> to vector<1x512xf32>
      %dot_general3A_294 = arith.constant dense<0.000000e+00> : vector<1x512xf32>
      %dot_general3A_295 = tpu.matmul %mul3A_292, %get3A_3, %dot_general3A_294 {dimension_numbers = #tpu.dot_dimension_numbers<[1], [0], [0], [1], [0, 0, 1, 1], [], []>, transpose_lhs_hint = false} : vector<1x128xf32>, vector<128x512xf32>, vector<1x512xf32> -> vector<1x512xf32>
      %add3A_296 = arith.addf %slice3A_293, %dot_general3A_295 : vector<1x512xf32>
      %slice3A_297 = vector.extract_strided_slice %add3A_296 {offsets = [0, 0], sizes = [1, 128], strides = [1, 1]} : vector<1x512xf32> to vector<1x128xf32>
      %mul3A_298 = arith.constant 5.000000e-01 : f32
      %mul3A_299 = vector.broadcast %mul3A_298 : f32 to vector<1x128xf32>
      %mul3A_300 = arith.mulf %slice3A_297, %mul3A_299 : vector<1x128xf32>
      %tanh3A_301 = math.tanh %mul3A_300 : vector<1x128xf32>
      %mul3A_302 = arith.constant 5.000000e-01 : f32
      %mul3A_303 = vector.broadcast %mul3A_302 : f32 to vector<1x128xf32>
      %mul3A_304 = arith.mulf %mul3A_303, %tanh3A_301 : vector<1x128xf32>
      %add3A_305 = arith.constant 5.000000e-01 : f32
      %add3A_306 = vector.broadcast %add3A_305 : f32 to vector<1x128xf32>
      %add3A_307 = arith.addf %mul3A_304, %add3A_306 : vector<1x128xf32>
      %slice3A_308 = vector.extract_strided_slice %add3A_296 {offsets = [0, 128], sizes = [1, 128], strides = [1, 1]} : vector<1x512xf32> to vector<1x128xf32>
      %mul3A_309 = arith.constant 5.000000e-01 : f32
      %mul3A_310 = vector.broadcast %mul3A_309 : f32 to vector<1x128xf32>
      %mul3A_311 = arith.mulf %slice3A_308, %mul3A_310 : vector<1x128xf32>
      %tanh3A_312 = math.tanh %mul3A_311 : vector<1x128xf32>
      %mul3A_313 = arith.constant 5.000000e-01 : f32
      %mul3A_314 = vector.broadcast %mul3A_313 : f32 to vector<1x128xf32>
      %mul3A_315 = arith.mulf %mul3A_314, %tanh3A_312 : vector<1x128xf32>
      %add3A_316 = arith.constant 5.000000e-01 : f32
      %add3A_317 = vector.broadcast %add3A_316 : f32 to vector<1x128xf32>
      %add3A_318 = arith.addf %mul3A_315, %add3A_317 : vector<1x128xf32>
      %slice3A_319 = vector.extract_strided_slice %add3A_296 {offsets = [0, 256], sizes = [1, 128], strides = [1, 1]} : vector<1x512xf32> to vector<1x128xf32>
      %tanh3A_320 = math.tanh %slice3A_319 : vector<1x128xf32>
      %slice3A_321 = vector.extract_strided_slice %add3A_296 {offsets = [0, 384], sizes = [1, 128], strides = [1, 1]} : vector<1x512xf32> to vector<1x128xf32>
      %mul3A_322 = arith.constant 5.000000e-01 : f32
      %mul3A_323 = vector.broadcast %mul3A_322 : f32 to vector<1x128xf32>
      %mul3A_324 = arith.mulf %slice3A_321, %mul3A_323 : vector<1x128xf32>
      %tanh3A_325 = math.tanh %mul3A_324 : vector<1x128xf32>
      %mul3A_326 = arith.constant 5.000000e-01 : f32
      %mul3A_327 = vector.broadcast %mul3A_326 : f32 to vector<1x128xf32>
      %mul3A_328 = arith.mulf %mul3A_327, %tanh3A_325 : vector<1x128xf32>
      %add3A_329 = arith.constant 5.000000e-01 : f32
      %add3A_330 = vector.broadcast %add3A_329 : f32 to vector<1x128xf32>
      %add3A_331 = arith.addf %mul3A_328, %add3A_330 : vector<1x128xf32>
      %mul3A_332 = arith.mulf %add3A_318, %add3A_290 : vector<1x128xf32>
      %mul3A_333 = arith.mulf %add3A_307, %tanh3A_320 : vector<1x128xf32>
      %add3A_334 = arith.addf %mul3A_332, %mul3A_333 : vector<1x128xf32>
      %tanh3A_335 = math.tanh %add3A_334 : vector<1x128xf32>
      %mul3A_336 = arith.mulf %add3A_331, %tanh3A_335 : vector<1x128xf32>
      %slice3A_337 = vector.extract_strided_slice %get3A_33 {offsets = [7, 0], sizes = [1, 512], strides = [1, 1]} : vector<8x512xf32> to vector<1x512xf32>
      %dot_general3A_338 = arith.constant dense<0.000000e+00> : vector<1x512xf32>
      %dot_general3A_339 = tpu.matmul %mul3A_336, %get3A_3, %dot_general3A_338 {dimension_numbers = #tpu.dot_dimension_numbers<[1], [0], [0], [1], [0, 0, 1, 1], [], []>, transpose_lhs_hint = false} : vector<1x128xf32>, vector<128x512xf32>, vector<1x512xf32> -> vector<1x512xf32>
      %add3A_340 = arith.addf %slice3A_337, %dot_general3A_339 : vector<1x512xf32>
      %slice3A_341 = vector.extract_strided_slice %add3A_340 {offsets = [0, 0], sizes = [1, 128], strides = [1, 1]} : vector<1x512xf32> to vector<1x128xf32>
      %mul3A_342 = arith.constant 5.000000e-01 : f32
      %mul3A_343 = vector.broadcast %mul3A_342 : f32 to vector<1x128xf32>
      %mul3A_344 = arith.mulf %slice3A_341, %mul3A_343 : vector<1x128xf32>
      %tanh3A_345 = math.tanh %mul3A_344 : vector<1x128xf32>
      %mul3A_346 = arith.constant 5.000000e-01 : f32
      %mul3A_347 = vector.broadcast %mul3A_346 : f32 to vector<1x128xf32>
      %mul3A_348 = arith.mulf %mul3A_347, %tanh3A_345 : vector<1x128xf32>
      %add3A_349 = arith.constant 5.000000e-01 : f32
      %add3A_350 = vector.broadcast %add3A_349 : f32 to vector<1x128xf32>
      %add3A_351 = arith.addf %mul3A_348, %add3A_350 : vector<1x128xf32>
      %slice3A_352 = vector.extract_strided_slice %add3A_340 {offsets = [0, 128], sizes = [1, 128], strides = [1, 1]} : vector<1x512xf32> to vector<1x128xf32>
      %mul3A_353 = arith.constant 5.000000e-01 : f32
      %mul3A_354 = vector.broadcast %mul3A_353 : f32 to vector<1x128xf32>
      %mul3A_355 = arith.mulf %slice3A_352, %mul3A_354 : vector<1x128xf32>
      %tanh3A_356 = math.tanh %mul3A_355 : vector<1x128xf32>
      %mul3A_357 = arith.constant 5.000000e-01 : f32
      %mul3A_358 = vector.broadcast %mul3A_357 : f32 to vector<1x128xf32>
      %mul3A_359 = arith.mulf %mul3A_358, %tanh3A_356 : vector<1x128xf32>
      %add3A_360 = arith.constant 5.000000e-01 : f32
      %add3A_361 = vector.broadcast %add3A_360 : f32 to vector<1x128xf32>
      %add3A_362 = arith.addf %mul3A_359, %add3A_361 : vector<1x128xf32>
      %slice3A_363 = vector.extract_strided_slice %add3A_340 {offsets = [0, 256], sizes = [1, 128], strides = [1, 1]} : vector<1x512xf32> to vector<1x128xf32>
      %tanh3A_364 = math.tanh %slice3A_363 : vector<1x128xf32>
      %slice3A_365 = vector.extract_strided_slice %add3A_340 {offsets = [0, 384], sizes = [1, 128], strides = [1, 1]} : vector<1x512xf32> to vector<1x128xf32>
      %mul3A_366 = arith.constant 5.000000e-01 : f32
      %mul3A_367 = vector.broadcast %mul3A_366 : f32 to vector<1x128xf32>
      %mul3A_368 = arith.mulf %slice3A_365, %mul3A_367 : vector<1x128xf32>
      %tanh3A_369 = math.tanh %mul3A_368 : vector<1x128xf32>
      %mul3A_370 = arith.constant 5.000000e-01 : f32
      %mul3A_371 = vector.broadcast %mul3A_370 : f32 to vector<1x128xf32>
      %mul3A_372 = arith.mulf %mul3A_371, %tanh3A_369 : vector<1x128xf32>
      %add3A_373 = arith.constant 5.000000e-01 : f32
      %add3A_374 = vector.broadcast %add3A_373 : f32 to vector<1x128xf32>
      %add3A_375 = arith.addf %mul3A_372, %add3A_374 : vector<1x128xf32>
      %mul3A_376 = arith.mulf %add3A_362, %add3A_334 : vector<1x128xf32>
      %mul3A_377 = arith.mulf %add3A_351, %tanh3A_364 : vector<1x128xf32>
      %add3A_378 = arith.addf %mul3A_376, %mul3A_377 : vector<1x128xf32>
      %tanh3A_379 = math.tanh %add3A_378 : vector<1x128xf32>
      %mul3A_380 = arith.mulf %add3A_375, %tanh3A_379 : vector<1x128xf32>
      %concatenate3A = tpu.concatenate %mul3A_72, %mul3A_116, %mul3A_160, %mul3A_204, %mul3A_248, %mul3A_292, %mul3A_336, %mul3A_380 in 0 : vector<1x128xf32>, vector<1x128xf32>, vector<1x128xf32>, vector<1x128xf32>, vector<1x128xf32>, vector<1x128xf32>, vector<1x128xf32>, vector<1x128xf32> -> vector<8x128xf32>
      %swap3A_381 = arith.index_cast %scan3A_26 : i32 to index
      %swap3A_382 = arith.constant 0 : index
      %swap3A_383 = arith.constant 0 : index
      %swap3A_384 = vector.load %arg5[%swap3A_381, %swap3A_382, %swap3A_383] : memref<125x8x128xf32, #tpu.memory_space<vmem>>, vector<1x8x128xf32>
      %swap3A_385 = vector.shape_cast %swap3A_384 : vector<1x8x128xf32> to vector<8x128xf32>
      %swap3A_386 = vector.shape_cast %concatenate3A : vector<8x128xf32> to vector<1x8x128xf32>
      tpu.vector_store %arg5[%swap3A_381, %swap3A_382, %swap3A_383], %swap3A_386 {strides = array<i32>} : memref<125x8x128xf32, #tpu.memory_space<vmem>>, vector<1x8x128xf32>,
      scf.yield %mul3A_380, %add3A_378 : vector<1x128xf32>, vector<1x128xf32>
    }
    %scan3A_14 = arith.constant 125 : i32
    %swap3A = arith.constant 0 : index
    %swap3A_15 = arith.constant 0 : index
    %swap3A_16 = vector.load %arg8[%swap3A, %swap3A_15] : memref<1x128xf32, #tpu.memory_space<vmem>>, vector<1x128xf32>
    tpu.vector_store %arg8[%swap3A, %swap3A_15], %scan3A_13#0 {strides = array<i32>} : memref<1x128xf32, #tpu.memory_space<vmem>>, vector<1x128xf32>,
    %swap3A_17 = arith.constant 0 : index
    %swap3A_18 = arith.constant 0 : index
    %swap3A_19 = vector.load %arg9[%swap3A_17, %swap3A_18] : memref<1x128xf32, #tpu.memory_space<vmem>>, vector<1x128xf32>
    tpu.vector_store %arg9[%swap3A_17, %swap3A_18], %scan3A_13#1 {strides = array<i32>} : memref<1x128xf32, #tpu.memory_space<vmem>>, vector<1x128xf32>,
    %swap3A_20 = arith.constant 0 : index
    %swap3A_21 = arith.constant 0 : index
    %swap3A_22 = vector.load %arg6[%swap3A_20, %swap3A_21] : memref<1x128xf32, #tpu.memory_space<vmem>>, vector<1x128xf32>
    tpu.vector_store %arg6[%swap3A_20, %swap3A_21], %scan3A_13#0 {strides = array<i32>} : memref<1x128xf32, #tpu.memory_space<vmem>>, vector<1x128xf32>,
    %swap3A_23 = arith.constant 0 : index
    %swap3A_24 = arith.constant 0 : index
    %swap3A_25 = vector.load %arg7[%swap3A_23, %swap3A_24] : memref<1x128xf32, #tpu.memory_space<vmem>>, vector<1x128xf32>
    tpu.vector_store %arg7[%swap3A_23, %swap3A_24], %scan3A_13#1 {strides = array<i32>} : memref<1x128xf32, #tpu.memory_space<vmem>>, vector<1x128xf32>,
    return
  }
  func.func @transform_0(%arg0: i32) -> (i32, i32, i32) {
    %c0_i32 = arith.constant 0 : i32
    %c0_i32_0 = arith.constant 0 : i32
    %c0_i32_1 = arith.constant 0 : i32
    return %arg0, %c0_i32, %c0_i32_0 : i32, i32, i32
  }
  func.func @transform_1(%arg0: i32) -> (i32, i32) {
    %c0_i32 = arith.constant 0 : i32
    %c0_i32_0 = arith.constant 0 : i32
    %c0_i32_1 = arith.constant 0 : i32
    return %c0_i32, %c0_i32_0 : i32, i32
  }
  func.func @transform_2(%arg0: i32) -> (i32, i32) {
    %c0_i32 = arith.constant 0 : i32
    %c0_i32_0 = arith.constant 0 : i32
    %c0_i32_1 = arith.constant 0 : i32
    return %c0_i32, %c0_i32_0 : i32, i32
  }
  func.func @transform_3(%arg0: i32) -> (i32, i32) {
    %c0_i32 = arith.constant 0 : i32
    %c0_i32_0 = arith.constant 0 : i32
    %c0_i32_1 = arith.constant 0 : i32
    return %c0_i32, %c0_i32_0 : i32, i32
  }
  func.func @transform_4(%arg0: i32) -> (i32, i32, i32) {
    %c0_i32 = arith.constant 0 : i32
    %c0_i32_0 = arith.constant 0 : i32
    %c0_i32_1 = arith.constant 0 : i32
    return %arg0, %c0_i32, %c0_i32_0 : i32, i32, i32
  }
  func.func @transform_5(%arg0: i32) -> (i32, i32) {
    %c0_i32 = arith.constant 0 : i32
    %c0_i32_0 = arith.constant 0 : i32
    %c0_i32_1 = arith.constant 0 : i32
    return %c0_i32, %c0_i32_0 : i32, i32
  }
  func.func @transform_6(%arg0: i32) -> (i32, i32) {
    %c0_i32 = arith.constant 0 : i32
    %c0_i32_0 = arith.constant 0 : i32
    %c0_i32_1 = arith.constant 0 : i32
    return %c0_i32, %c0_i32_0 : i32, i32
  }
}

</mosaic_0001>

<sc_bundles>
// kernel: kernel.10.cloned.1.call-start
scs
__scs_entry_jumppad:
0x0: {  	(pc) =	sbr.rel $0x88, $3  }
0x1: {  	(tag) =	ssettag $0x0;
	lr =	simm.s32 $0x1  }
0x2: {  	[smem:$0x3F97] =	sst lr;
	_ =	strace $0xD0000000  }
0x3: {  	_ = 	snop  }
0x4: {  	_ = 	snop  }
0x5: {  	_ = 	snop  }
0x6: {  	_ = 	snop  }
0x7: {  	_ = 	snop  }
__scs_overlays_trampoline_lowered:
0x8: {  	[smem:$0x3FA6] =	sst s0  }
0x9: {  	[smem:$0x3FA7] =	sst s1  }
0xa: {  	[smem:$0x3FA8] =	sst s2  }
0xb: {  	[smem:$0x3FA9] =	sst s3  }
0xc: {  	[smem:$0x3FAA] =	sst s4  }
0xd: {  	[smem:$0x3FAB] =	sst s5  }
0xe: {  	[smem:$0x3FAC] =	sst s6  }
0xf: {  	[smem:$0x3FAD] =	sst s7  }
0x10: {  	[smem:$0x3FAE] =	sst s8  }
0x11: {  	[smem:$0x3FAF] =	sst s9;
	s0 =	simm.s32 @!p0 $0x0  }
0x12: {  	s1 =	sld [smem:$0x3F95];
	s0 =	simm.s32 @p0 $0x1  }
0x13: {  	[smem:$0x3FB0] =	sst s0;
	s0 =	simm.s32 @!p1 $0x0  }
0x14: {  	s2 =	sld [smem:$0x3F94];
	s0 =	simm.s32 @p1 $0x1  }
0x15: {  	[smem:$0x3FB1] =	sst s0;
	s0 =	simm.s32 @!p2 $0x0  }
0x16: {  	s3 =	sld [smem:$0x3FDB];
	s0 =	simm.s32 @p2 $0x1  }
0x17: {  	s4 =	simm.s32 $0x1BF5;
	[smem:$0x3FB3] =	sst s0  }
0x18: {  	s0 =	sld [smem:$0x3F96];
	_ =	swait.ge [sflag:s4], $0x0  }
0x19: {  	s7 =	sld [smem:$0x3F97]  }
0x1a: {  	s8 =	sadd.s32 $0xFFFFE003, lr  }
0x1b: {  	s9 =	sadd.s32 $0xFFFFFEF7, lr;
	s5 =	simm.s32 $0xFFFFFFFF;
	p2 =	slt.u32 s8, $0xFFFFF086  }
0x1c: {  	p1 =	slt.u32 s9, $0xF7A;
	s5 =	simm.s32 @!p2 $0x0  }
0x1d: {  	s5 =	simm.s32 @p1 $0x1;
	p0 =	seq.s32 s7, s2  }
0x1e: {  	s7 =	smul.u32 @!p0 $0xF7A, s2;
	p2 =	seq.s32 @!p0 s5, $0x0  }
0x1f: {  	s9 =	smul.u32 $0xF7A, s1;
	s8 =	simm.s32 @!p0 $0x1BF5;
	p2 =	por !p2, p0  }
0x20: {  	[sflag:s8] =	ssyncset.s32 @!p0 $0xFFFFF086;
	s6 =	sadd.s32 @!p0 s3, s7;
	s7 =	simm.s32 @!p0 $0x108  }
0x21: {  	s3 =	sadd.s32 s3, s9;
	s6 =	sadd.s32 @!p0 $0x88, s6;
	s7 =	simm.s32 @p2 $0x1082  }
0x22: {  	[simem:s7], [sflag:s8] =	dma.local @!p0 [hbm:s6], $0xF7A  }
0x23: {  	s9 =	sor.u32 $0xD0000000, s2;
	s6 =	simm.s32 $0x108;
	_ =	swait.ge @!p0 [sflag:s8], $0x0  }
0x24: {  	s3 =	sadd.s32 $0x88, s3;
	s6 =	simm.s32 @!p1 $0x1082;
	[sflag:s4] =	ssyncset.s32 $0xFFFFF086  }
0x25: {  	[simem:s6], [sflag:s4] =	dma.local [hbm:s3], $0xF7A  }
0x26: {  	[smem:$0x3F97] =	sst s1;
	(tag) =	ssettag s2;
	_ =	strace s9  }
0x27: {  	s1 =	sld [smem:$0x3FA7]  }
0x28: {  	s2 =	sld [smem:$0x3FA8]  }
0x29: {  	s4 =	sld [smem:$0x3FAA]  }
0x2a: {  	p0 =	seq.s32 s5, $0x0;
	s5 =	sld [smem:$0x3FAB]  }
0x2b: {  	s6 =	sld [smem:$0x3FAC]  }
0x2c: {  	s7 =	sld [smem:$0x3FAD]  }
0x2d: {  	s3 =	simm.s32 $0x108;
	s8 =	sld [smem:$0x3FAE]  }
0x2e: {  	s3 =	simm.s32 @!p0 $0x1082;
	s9 =	sld [smem:$0x3FAF]  }
0x2f: {  	lr =	sadd.s32 s0, s3;
	s0 =	sld [smem:$0x3FA6]  }
0x30: {  	s3 =	sld [smem:$0x3FA9]  }
0x31: {  	[smem:$0x3FB2] =	sst s10  }
0x32: {  	s10 =	sld [smem:$0x3FB0];
	_ =	sdelay $0x3  }
0x33: {  	p0 =	seq.s32 s10, $0x1;
	s10 =	sld [smem:$0x3FB2];
	_ =	sdelay $0x3  }
0x34: {  	[smem:$0x3FB2] =	sst s10  }
0x35: {  	s10 =	sld [smem:$0x3FB1];
	_ =	sdelay $0x3  }
0x36: {  	p1 =	seq.s32 s10, $0x1;
	s10 =	sld [smem:$0x3FB2];
	_ =	sdelay $0x3  }
0x37: {  	[smem:$0x3FB2] =	sst s10  }
0x38: {  	s10 =	sld [smem:$0x3FB3]  }
0x39: {  	_ = 	snop;
	(pc) =	sbr.ind lr, $3  }
0x3a: {  	_ = 	snop  }
0x3b: {  	_ = 	snop  }
0x3c: {  	p2 =	seq.s32 s10, $0x1;
	s10 =	sld [smem:$0x3FB2]  }
0x3d: {  	_ =	shalt  }
0x3e: {  	_ =	shalt  }
0x3f: {  	_ =	shalt  }
0x40: {  	_ =	shalt  }
0x41: {  	_ =	shalt  }
0x42: {  	_ =	shalt  }
0x43: {  	_ =	shalt  }
0x44: {  	_ =	shalt  }
0x45: {  	_ =	shalt  }
0x46: {  	_ =	shalt  }
0x47: {  	_ =	shalt  }
0x48: {  	_ =	shalt  }
0x49: {  	_ =	shalt  }
0x4a: {  	_ =	shalt  }
0x4b: {  	_ =	shalt  }
0x4c: {  	_ =	shalt  }
0x4d: {  	_ =	shalt  }
0x4e: {  	_ =	shalt  }
0x4f: {  	_ =	shalt  }
0x50: {  	_ =	shalt  }
0x51: {  	_ =	shalt  }
0x52: {  	_ =	shalt  }
0x53: {  	_ =	shalt  }
0x54: {  	_ =	shalt  }
0x55: {  	_ =	shalt  }
0x56: {  	_ =	shalt  }
0x57: {  	_ =	shalt  }
0x58: {  	_ =	shalt  }
0x59: {  	_ =	shalt  }
0x5a: {  	_ =	shalt  }
0x5b: {  	_ =	shalt  }
0x5c: {  	_ =	shalt  }
0x5d: {  	_ =	shalt  }
0x5e: {  	_ =	shalt  }
0x5f: {  	_ =	shalt  }
0x60: {  	_ =	shalt  }
0x61: {  	_ =	shalt  }
0x62: {  	_ =	shalt  }
0x63: {  	_ =	shalt  }
0x64: {  	_ =	shalt  }
0x65: {  	_ =	shalt  }
0x66: {  	_ =	shalt  }
0x67: {  	_ =	shalt  }
0x68: {  	_ =	shalt  }
0x69: {  	_ =	shalt  }
0x6a: {  	_ =	shalt  }
0x6b: {  	_ =	shalt  }
0x6c: {  	_ =	shalt  }
0x6d: {  	_ =	shalt  }
0x6e: {  	_ =	shalt  }
0x6f: {  	_ =	shalt  }
0x70: {  	_ =	shalt  }
0x71: {  	_ =	shalt  }
0x72: {  	_ =	shalt  }
0x73: {  	_ =	shalt  }
0x74: {  	_ =	shalt  }
0x75: {  	_ =	shalt  }
0x76: {  	_ =	shalt  }
0x77: {  	_ =	shalt  }
0x78: {  	_ =	shalt  }
0x79: {  	_ =	shalt  }
0x7a: {  	_ =	shalt  }
0x7b: {  	_ =	shalt  }
0x7c: {  	_ =	shalt  }
0x7d: {  	_ =	shalt  }
0x7e: {  	_ =	shalt  }
0x7f: {  	_ =	shalt  }
0x80: {  	_ =	shalt  }
0x81: {  	_ =	shalt  }
0x82: {  	_ =	shalt  }
0x83: {  	_ =	shalt  }
0x84: {  	_ =	shalt  }
0x85: {  	_ =	shalt  }
0x86: {  	_ =	shalt  }
0x87: {  	_ =	shalt  }
.Lfunc_end0:
.L_simem_size_0:
called_computation.1_lowered:
.L_overlay_start_0:
0x88: {  	s2 =	sld [smem:$0x3FD9]  }
0x89: {  	s3 =	sld [smem:$0x3FFE];
	_ =	sdelay $0x1  }
0x8a: {  	s1 =	srdreg.scid  }
0x8b: {  	s0 =	sand.u32 $0x1, s1  }
0x8c: {  	s14 =	sshll.u32 s0, $0xA;
	s2 =	sadd.s32 s3, s2  }
0x8d: {  	s2 =	sadd.s32 s2, s14  }
0x8e: {  	[smem:$0x3FBE] =	sst s2  }
0x8f: {  	_ = 	snop  }
0x90: {  	s2 =	sld [smem:$0x3FD0];
	_ =	sdelay $0x2  }
0x91: {  	s15 =	simm.s32 $0xA;
	s4 =	simm.s32 $0x10  }
0x92: {  	[smem:s4], [sflag:s15] =	dma.local [hbm:s2], $0x1  }
0x93: {  	_ =	swait.eq [sflag:s15], $0x1  }
0x94: {  	[sflag:s15] =	ssyncset.done $0x0  }
0x95: {  	[sflag:s15] =	ssyncadd.s32 $0xFFFFFFFF  }
0x96: {  	s16 =	sld [smem:$0x10];
	(tm) =	ssettm $0x1  }
0x97: {  	s17 =	sld [smem:$0x3FFB];
	_ =	sdelay $0x3  }
0x98: {  	_ =	strace s17  }
0x99: {  	s3 =	sld [smem:$0x3FFC];
	_ =	sdelay $0x3  }
0x9a: {  	_ =	strace s3  }
0x9b: {  	s3 =	sld [smem:$0x3FFD];
	_ =	sdelay $0x3  }
0x9c: {  	_ =	strace s3  }
0x9d: {  	_ =	strace $0x8FFFFFFF  }
0x9e: {  	s18 =	sld [smem:$0x3FDB];
	_ =	sdelay $0x1  }
0x9f: {  	s19 =	simm.s32 $_scs_section_size  }
0xa0: {  	s5 =	simm.s32 $_size__tile_overlayer_lowered;
	s6 =	simm.s32 $_tile_overlayer_lowered  }
0xa1: {  	s22 =	simm.s32 $0x1BFF;
	s21 =	sshll.u32 s6, $0x1;
	s3 =	sadd.s32 s19, s18  }
0xa2: {  	s7 =	simm.s32 $0x0;
	s20 =	sshll.u32 s5, $0x1;
	s5 =	sadd.s32 s21, s3  }
0xa3: {  	[timem:s7], [sflag:s22] =	dma.local [hbm:s5], s20  }
0xa4: {  	_ =	swait.ge [sflag:s22], s20  }
0xa5: {  	s4 =	ssub.s32 $0x0, s20;
	[sflag:s22] =	ssyncset.done $0x0  }
0xa6: {  	[sflag:s22] =	ssyncadd.s32 s4;
	_ =	sdelay $0x1  }
0xa7: {  	s23 =	simm.s32 $0x1B8B  }
0xa8: {  	_ =	swait.ge [sflag:s23], $0x1  }
0xa9: {  	[sflag:s23] =	ssyncset.done $0x0  }
0xaa: {  	s25 =	simm.s32 $0x1B8E;
	s24 =	sld [smem:$0x3FFE];
	[sflag:s23] =	ssyncadd.s32 $0xFFFFFFFF  }
0xab: {  	s26 =	simm.s32 $execute0_lowered;
	[smem:$0x3FD2] =	sst s25  }
0xac: {  	s5 =	sshll.u32 s26, $0x1;
	_ =	strace $0x80000049;
	[dreg:$0x1] =	wrdreg $0xFFFFFFFF  }
0xad: {  	s28 =	simm.s32 $_size_execute0_lowered;
	s3 =	sadd.s32 s3, s5;
	[dreg:$0x0] =	wrdreg $0x0  }
0xae: {  	s5 =	sshll.u32 s28, $0x1;
	[dreg:$0x2] =	wrdreg s3  }
0xaf: {  	[dreg:$0x3] =	wrdreg s5  }
0xb0: {  	[dreg:$0x4] =	wrdreg $0xC0  }
0xb1: {  	_ =	task [dreg:s7], $0x5FFFF  }
0xb2: {  	[dreg:$0x1] =	wrdreg $0xFFFFFFFF  }
0xb3: {  	[dreg:$0x0] =	wrdreg $0x60  }
0xb4: {  	[dreg:$0x2] =	wrdreg s16  }
0xb5: {  	[dreg:$0x3] =	wrdreg s24  }
0xb6: {  	[dreg:$0x4] =	wrdreg $0xB8000  }
0xb7: {  	[dreg:$0x5] =	wrdreg $0x9  }
0xb8: {  	_ =	task.clear_ibuf [dreg:s7], $0x6FFFF;
	_ =	strace $0x90000049  }
0xb9: {  	s29 =	simm.s32 $0x9;
	_ =	strace $0x8000004B  }
0xba: {  	_ =	swait.ge [sflag:s29], $0x1  }
0xbb: {  	[sflag:s29] =	ssyncadd.s32 $0xFFFFFFFF  }
0xbc: {  	_ =	strace $0x9000004B  }
0xbd: {  	_ =	sfence  }
0xbe: {  	s30 =	sld [smem:$0x0];
	_ =	sdelay $0x2  }
0xbf: {  	s31 =	sshll.u32 s1, $0xD;
	s1 =	sshrl.u32 s1, $0x2  }
0xc0: {  	s3 =	sand.u32 $0x4000, s31;
	s1 =	sadd.s32 s1, s30  }
0xc1: {  	s0 =	sor.u32 s3, s0;
	s1 =	sshll.u32 s1, $0x11  }
0xc2: {  	s0 =	sor.u32 s1, s0  }
0xc3: {  	s0 =	sadd.s32 $0x8F2B, s0  }
0xc4: {  	[sflag:s0] =	ssyncadd.remote.s32 $0x1  }
0xc5: {  	_ =	sfence.sel $0xFFFF  }
0xc6: {  	[dreg:$0x0] =	wrdreg $0xFFFFFFFF;
	(pc) =	sbr.abs _section_cstart, $3  }
0xc7: {  	[dreg:$0x1] =	wrdreg $0xFFFFFFFF  }
0xc8: {  	_ =	task.clear_ibuf [dreg:s7], $0x2FFFF;
	_ =	strace $0x9FFFFFFF  }
0xc9: {  	(tm) =	ssettm $0x7FFFFFFF  }
tec
execute0_lowered:
.L_overlay_start_1:
0x0: {  	(tag) =	ssettag $0x1  }
0x1: {  	s0 =	rddreg [dreg:$0x0]  }
0x2: {  	s2 =	rddreg [dreg:$0x1]  }
0x3: {  	s1 =	srdreg.scid;
	s3 =	rddreg [dreg:$0x2]  }
0x4: {  	s7 =	stileid.u32;
	s4 =	simm.s32 $0x0;
	s28 =	simm.s32 $0x80  }
0x5: {  	s29 =	simm.s32 $0x5000;
	s30 =	simm.s32 $0x1;
	s31 =	simm.s32 $0x0  }
0x6: {  	s1 =	sand.u32 $0x1, s1;
	[smem:$0x7FF] =	sst s4;
	s6 =	smul.u32 $0x50000, s7  }
0x7: {  	s13 =	smul.u32 $0x14000, s7;
	s5 =	sshll.u32 s1, $0x4;
	_ =	strace $0x8000004A  }
0x8: {  	s23 =	ssub.s32 $0x2, s1;
	s1 =	smul.u32 $0x140000, s1;
	s5 =	sor.u32 s7, s5  }
0x9: {  	s24 =	sshrl.u32 s23, $0x1;
	s6 =	sshrl.u32 s6, $0x2;
	s15 =	sor.u32 $0x2800, s13  }
0xa: {  	s17 =	sadd.s32 $0x5000, s13;
	s18 =	sadd.s32 $0x7800, s13;
	s19 =	sadd.s32 $0xA000, s13  }
0xb: {  	s20 =	sadd.s32 $0xC800, s13;
	s21 =	sadd.s32 $0xF000, s13;
	s22 =	sadd.s32 $0x11800, s13  }
0xc: {  	s5 =	smul.u32 $0x500, s5;
	s23 =	ssub.s32 s23, s24;
	s7 =	sadd.s32 s17, s3  }
0xd: {  	s8 =	sadd.s32 s18, s3;
	s9 =	sadd.s32 s19, s3;
	s10 =	sadd.s32 s20, s3  }
0xe: {  	s11 =	sadd.s32 s21, s3;
	s12 =	sadd.s32 s22, s3;
	s16 =	sadd.s32 s13, s1  }
0xf: {  	s24 =	sadd.s32 s1, s15;
	s17 =	sadd.s32 s1, s17;
	s18 =	sadd.s32 s1, s18  }
0x10: {  	s19 =	sadd.s32 s1, s19;
	s20 =	sadd.s32 s1, s20;
	s21 =	sadd.s32 s1, s21  }
0x11: {  	s1 =	sadd.s32 s1, s22;
	s16 =	sshrl.u32 s16, $0x3;
	s26 =	sshrl.u32 s24, $0x3  }
0x12: {  	s17 =	sshrl.u32 s17, $0x3;
	s18 =	sshrl.u32 s18, $0x3;
	s19 =	sshrl.u32 s19, $0x3  }
0x13: {  	s20 =	sshrl.u32 s20, $0x3;
	s21 =	sshrl.u32 s21, $0x3;
	s1 =	sshrl.u32 s1, $0x3  }
0x14: {  	s23 =	smax.u32 s23, $0x1;
	s24 =	simm.s32 $0x9000;
	s14 =	sadd.s32 s5, s2  }
0x15: {  	s2 =	sadd.s32 $0x16800, s2;
	s5 =	sadd.s32 s6, s3;
	s6 =	sadd.s32 s15, s3  }
0x16: {  	s25 =	sadd.s32 $0xC800, s14;
	s14 =	sadd.s32 $0x2800, s14;
	s15 =	sadd.s32 s2, s16  }
0x17: {  	s16 =	sadd.s32 s2, s26;
	s17 =	sadd.s32 s2, s17;
	s18 =	sadd.s32 s2, s18  }
0x18: {  	s19 =	sadd.s32 s2, s19;
	s20 =	sadd.s32 s2, s20;
	s21 =	sadd.s32 s2, s21  }
0x19: {  	v0 =	vimm.f32 $0.0e+00;
	s22 =	sadd.s32 s2, s1;
	[dreg:$0x4] =	wrdreg s25;
	s25 =	simm.s32 $0x2  }
.LBB2_1:
0x1a: {  	s1 =	simm.s32 $0x0;
	s2 =	simm.s32 $0x200  }
.LBB2_2:
0x1b: {  	p0 =	sne.s32 s2, $0x9E00;
	[tilespmem:s1+$0x9070] =	vst v0  }
0x1c: {  	[tilespmem:s1+$0x9000] =	vst v0  }
0x1d: {  	[tilespmem:s1+$0x9010] =	vst v0  }
.Ltmp0:
0x1e: {  	[tilespmem:s1+$0x9020] =	vst v0;
	(pc) =	sbr.rel @p0 .LBB2_2-.Ltmp0, $4  }
0x1f: {  	[tilespmem:s1+$0x9030] =	vst v0  }
0x20: {  	[tilespmem:s1+$0x9040] =	vst v0  }
0x21: {  	[tilespmem:s1+$0x9050] =	vst v0  }
0x22: {  	[tilespmem:s1+$0x9060] =	vst v0;
	s1 =	sshra.s32 s2, $0x2;
	s2 =	sadd.s32 $0x200, s2  }
0x23: {  	[tilespmem:s1+$0x9070] =	vst v0  }
0x24: {  	[tilespmem:s1+$0x9000] =	vst v0  }
0x25: {  	[tilespmem:s1+$0x9010] =	vst v0  }
0x26: {  	[tilespmem:s1+$0x9020] =	vst v0  }
0x27: {  	[tilespmem:s1+$0x9030] =	vst v0  }
0x28: {  	[tilespmem:s1+$0x9040] =	vst v0  }
0x29: {  	[tilespmem:s1+$0x9050] =	vst v0  }
0x2a: {  	[tilespmem:s1+$0x9060] =	vst v0  }
0x2b: {  	[spmem:s5] =	stream.linear.scatter [tilespmem:s24], [sflag:$0x2], $0x2800, $0x38;
	[tilespmem:$0x1F800] =	vst v63  }
0x2c: {  	_ =	swait.ge [sflag:s25], $0x2800  }
0x2d: {  	[sflag:s25] =	ssyncset.done $0x0  }
0x2e: {  	[sflag:s25] =	ssyncadd.s32 $0xFFFFD800  }
0x2f: {  	[spmem:s6] =	stream.linear.scatter [tilespmem:s24], [sflag:$0x2], $0x2800, $0x38;
	[tilespmem:$0x1F800] =	vst v63  }
0x30: {  	_ =	swait.ge [sflag:s25], $0x2800  }
0x31: {  	[sflag:s25] =	ssyncset.done $0x0  }
0x32: {  	[sflag:s25] =	ssyncadd.s32 $0xFFFFD800  }
0x33: {  	[spmem:s7] =	stream.linear.scatter [tilespmem:s24], [sflag:$0x2], $0x2800, $0x38;
	[tilespmem:$0x1F800] =	vst v63  }
0x34: {  	_ =	swait.ge [sflag:s25], $0x2800  }
0x35: {  	[sflag:s25] =	ssyncset.done $0x0  }
0x36: {  	[sflag:s25] =	ssyncadd.s32 $0xFFFFD800  }
0x37: {  	[spmem:s8] =	stream.linear.scatter [tilespmem:s24], [sflag:$0x2], $0x2800, $0x38;
	[tilespmem:$0x1F800] =	vst v63  }
0x38: {  	_ =	swait.ge [sflag:s25], $0x2800  }
0x39: {  	[sflag:s25] =	ssyncset.done $0x0  }
0x3a: {  	[sflag:s25] =	ssyncadd.s32 $0xFFFFD800  }
0x3b: {  	[spmem:s9] =	stream.linear.scatter [tilespmem:s24], [sflag:$0x2], $0x2800, $0x38;
	[tilespmem:$0x1F800] =	vst v63  }
0x3c: {  	_ =	swait.ge [sflag:s25], $0x2800  }
0x3d: {  	[sflag:s25] =	ssyncset.done $0x0  }
0x3e: {  	[sflag:s25] =	ssyncadd.s32 $0xFFFFD800  }
0x3f: {  	[spmem:s10] =	stream.linear.scatter [tilespmem:s24], [sflag:$0x2], $0x2800, $0x38;
	[tilespmem:$0x1F800] =	vst v63  }
0x40: {  	_ =	swait.ge [sflag:s25], $0x2800  }
0x41: {  	[sflag:s25] =	ssyncset.done $0x0  }
0x42: {  	[sflag:s25] =	ssyncadd.s32 $0xFFFFD800  }
0x43: {  	[spmem:s11] =	stream.linear.scatter [tilespmem:s24], [sflag:$0x2], $0x2800, $0x38;
	[tilespmem:$0x1F800] =	vst v63  }
0x44: {  	_ =	swait.ge [sflag:s25], $0x2800  }
0x45: {  	[sflag:s25] =	ssyncset.done $0x0  }
0x46: {  	[sflag:s25] =	ssyncadd.s32 $0xFFFFD800  }
0x47: {  	[spmem:s12] =	stream.linear.scatter [tilespmem:s24], [sflag:$0x2], $0x2800, $0x38;
	[tilespmem:$0x1F800] =	vst v63  }
0x48: {  	_ =	swait.ge [sflag:s25], $0x2800  }
0x49: {  	[sflag:s25] =	ssyncset.done $0x0  }
0x4a: {  	[sflag:s25] =	ssyncadd.s32 $0xFFFFD800  }
0x4b: {  	[bflag:$0x0] =	sbarrier.arrive $0xFFFF  }
0x4c: {  	s13 =	simm.s32 $0x0;
	s2 =	rddreg [dreg:$0x4]  }
0x4d: {  	[tilespmem:s13], [sflag:$0x2] =	stream.linear.gather [hbm4b:s2+s13], $0x2780, $0x38;
	[tilespmem:$0x1F800] =	vst v63  }
0x4e: {  	_ =	swait.ge [sflag:s25], $0x2780  }
0x4f: {  	[sflag:s25] =	ssyncset.done $0x0  }
0x50: {  	s26 =	simm.s32 $0x2800;
	[sflag:s25] =	ssyncadd.s32 $0xFFFFD880  }
0x51: {  	[tilespmem:s26], [sflag:$0x2] =	stream.linear.gather [hbm4b:s14+s13], $0x2780, $0x38;
	[tilespmem:$0x1F800] =	vst v63  }
0x52: {  	_ =	swait.ge [sflag:s25], $0x2780  }
0x53: {  	[sflag:s25] =	ssyncset.done $0x0  }
0x54: {  	s13 =	simm.s32 $0x0;
	[sflag:s25] =	ssyncadd.s32 $0xFFFFD880  }
0x55: {  	[tilespmem:s29], [sflag:$0x1] =	stream.indirect.gather [hbm4b:s0+s28], $0x80, s13, s28, $0xb8;
	[tilespmem:$0x1F800] =	vst v63  }
0x56: {  	_ =	swait.ge [sflag:s30], $0x4000  }
0x57: {  	[sflag:s30] =	ssyncset.done $0x0  }
0x58: {  	s26 =	simm.s32 $0x2800;
	[sflag:s30] =	ssyncadd.s32 $0xFFFFC000  }
0x59: {  	[spmem:s3] =	stream.indirect.scatter.add.f32 [tilespmem:s29], [sflag:$0x2], $0x80, s26, s28, $0xb8;
	[tilespmem:$0x1F800] =	vst v63  }
0x5a: {  	_ =	swait.ge [sflag:s25], $0x4000  }
0x5b: {  	s1 =	simm.s32 $0x200;
	s2 =	simm.s32 $0x400;
	[sflag:s25] =	ssyncset.done $0x0  }
.LBB2_4:
0x5c: {  	s26 =	sshra.s32 s1, $0x2  }
0x5d: {  	[sflag:s25] =	ssyncadd.s32 $0xFFFFC000;
	s1 =	smov.u32 s2;
	s13 =	sadd.s32 $0x200, s2  }
0x5e: {  	[tilespmem:s29], [sflag:$0x1] =	stream.indirect.gather [hbm4b:s0+s28], $0x80, s26, s28, $0xb8;
	[tilespmem:$0x1F800] =	vst v63  }
0x5f: {  	p0 =	sne.s32 s2, $0x9C00;
	_ =	swait.ge [sflag:s30], $0x4000  }
.Ltmp1:
0x60: {  	[sflag:s30] =	ssyncset.done $0x0;
	(pc) =	sbr.rel @p0 .LBB2_4-.Ltmp1, $4  }
0x61: {  	s2 =	sadd.s32 $0x2800, s26;
	[sflag:s30] =	ssyncadd.s32 $0xFFFFC000  }
0x62: {  	[spmem:s3] =	stream.indirect.scatter.add.f32 [tilespmem:s29], [sflag:$0x2], $0x80, s2, s28, $0xb8;
	[tilespmem:$0x1F800] =	vst v63  }
0x63: {  	_ =	swait.ge [sflag:s25], $0x4000  }
0x64: {  	s2 =	smov.u32 s13;
	[sflag:s25] =	ssyncset.done $0x0  }
0x65: {  	s1 =	sshra.s32 s1, $0x2;
	[sflag:s25] =	ssyncadd.s32 $0xFFFFC000  }
0x66: {  	[tilespmem:s29], [sflag:$0x1] =	stream.indirect.gather [hbm4b:s0+s28], $0x80, s1, s28, $0xb8;
	[tilespmem:$0x1F800] =	vst v63  }
0x67: {  	_ =	swait.ge [sflag:s30], $0x4000  }
0x68: {  	[sflag:s30] =	ssyncset.done $0x0  }
0x69: {  	s1 =	sadd.s32 $0x2800, s1;
	[sflag:s30] =	ssyncadd.s32 $0xFFFFC000  }
0x6a: {  	[spmem:s3] =	stream.indirect.scatter.add.f32 [tilespmem:s29], [sflag:$0x2], $0x80, s1, s28, $0xb8;
	[tilespmem:$0x1F800] =	vst v63  }
0x6b: {  	_ =	swait.ge [sflag:s25], $0x4000  }
0x6c: {  	[sflag:s25] =	ssyncset.done $0x0  }
0x6d: {  	[sflag:s25] =	ssyncadd.s32 $0xFFFFC000  }
0x6e: {  	[bflag:$0x0] =	sbarrier.arrive $0xFFFF  }
0x6f: {  	[tilespmem:s24], [sflag:$0x2] =	stream.linear.gather [spmem:s5], $0x2800, $0x38;
	[tilespmem:$0x1F800] =	vst v63  }
0x70: {  	_ =	swait.ge [sflag:s25], $0x2800  }
0x71: {  	[sflag:s25] =	ssyncset.done $0x0  }
0x72: {  	[sflag:s25] =	ssyncadd.s32 $0xFFFFD800  }
0x73: {  	[hbm4b:s15+s4] =	stream.linear.scatter [tilespmem:s24], [sflag:$0x2], $0x2800, $0x38;
	[tilespmem:$0x1F800] =	vst v63  }
0x74: {  	_ =	swait.ge [sflag:s25], $0x2800  }
0x75: {  	[sflag:s25] =	ssyncset.done $0x0  }
0x76: {  	[sflag:s25] =	ssyncadd.s32 $0xFFFFD800  }
0x77: {  	[tilespmem:s24], [sflag:$0x2] =	stream.linear.gather [spmem:s6], $0x2800, $0x38;
	[tilespmem:$0x1F800] =	vst v63  }
0x78: {  	_ =	swait.ge [sflag:s25], $0x2800  }
0x79: {  	[sflag:s25] =	ssyncset.done $0x0  }
0x7a: {  	[sflag:s25] =	ssyncadd.s32 $0xFFFFD800  }
0x7b: {  	[hbm4b:s16+s4] =	stream.linear.scatter [tilespmem:s24], [sflag:$0x2], $0x2800, $0x38;
	[tilespmem:$0x1F800] =	vst v63  }
0x7c: {  	_ =	swait.ge [sflag:s25], $0x2800  }
0x7d: {  	[sflag:s25] =	ssyncset.done $0x0  }
0x7e: {  	[sflag:s25] =	ssyncadd.s32 $0xFFFFD800  }
0x7f: {  	[tilespmem:s24], [sflag:$0x2] =	stream.linear.gather [spmem:s7], $0x2800, $0x38;
	[tilespmem:$0x1F800] =	vst v63  }
0x80: {  	_ =	swait.ge [sflag:s25], $0x2800  }
0x81: {  	[sflag:s25] =	ssyncset.done $0x0  }
0x82: {  	[sflag:s25] =	ssyncadd.s32 $0xFFFFD800  }
0x83: {  	[hbm4b:s17+s4] =	stream.linear.scatter [tilespmem:s24], [sflag:$0x2], $0x2800, $0x38;
	[tilespmem:$0x1F800] =	vst v63  }
0x84: {  	_ =	swait.ge [sflag:s25], $0x2800  }
0x85: {  	[sflag:s25] =	ssyncset.done $0x0  }
0x86: {  	[sflag:s25] =	ssyncadd.s32 $0xFFFFD800  }
0x87: {  	[tilespmem:s24], [sflag:$0x2] =	stream.linear.gather [spmem:s8], $0x2800, $0x38;
	[tilespmem:$0x1F800] =	vst v63  }
0x88: {  	_ =	swait.ge [sflag:s25], $0x2800  }
0x89: {  	[sflag:s25] =	ssyncset.done $0x0  }
0x8a: {  	[sflag:s25] =	ssyncadd.s32 $0xFFFFD800  }
0x8b: {  	[hbm4b:s18+s4] =	stream.linear.scatter [tilespmem:s24], [sflag:$0x2], $0x2800, $0x38;
	[tilespmem:$0x1F800] =	vst v63  }
0x8c: {  	_ =	swait.ge [sflag:s25], $0x2800  }
0x8d: {  	[sflag:s25] =	ssyncset.done $0x0  }
0x8e: {  	[sflag:s25] =	ssyncadd.s32 $0xFFFFD800  }
0x8f: {  	[tilespmem:s24], [sflag:$0x2] =	stream.linear.gather [spmem:s9], $0x2800, $0x38;
	[tilespmem:$0x1F800] =	vst v63  }
0x90: {  	_ =	swait.ge [sflag:s25], $0x2800  }
0x91: {  	[sflag:s25] =	ssyncset.done $0x0  }
0x92: {  	[sflag:s25] =	ssyncadd.s32 $0xFFFFD800  }
0x93: {  	[hbm4b:s19+s4] =	stream.linear.scatter [tilespmem:s24], [sflag:$0x2], $0x2800, $0x38;
	[tilespmem:$0x1F800] =	vst v63  }
0x94: {  	_ =	swait.ge [sflag:s25], $0x2800  }
0x95: {  	[sflag:s25] =	ssyncset.done $0x0  }
0x96: {  	[sflag:s25] =	ssyncadd.s32 $0xFFFFD800  }
0x97: {  	[tilespmem:s24], [sflag:$0x2] =	stream.linear.gather [spmem:s10], $0x2800, $0x38;
	[tilespmem:$0x1F800] =	vst v63  }
0x98: {  	_ =	swait.ge [sflag:s25], $0x2800  }
0x99: {  	[sflag:s25] =	ssyncset.done $0x0  }
0x9a: {  	[sflag:s25] =	ssyncadd.s32 $0xFFFFD800  }
0x9b: {  	[hbm4b:s20+s4] =	stream.linear.scatter [tilespmem:s24], [sflag:$0x2], $0x2800, $0x38;
	[tilespmem:$0x1F800] =	vst v63  }
0x9c: {  	_ =	swait.ge [sflag:s25], $0x2800  }
0x9d: {  	[sflag:s25] =	ssyncset.done $0x0  }
0x9e: {  	[sflag:s25] =	ssyncadd.s32 $0xFFFFD800  }
0x9f: {  	[tilespmem:s24], [sflag:$0x2] =	stream.linear.gather [spmem:s11], $0x2800, $0x38;
	[tilespmem:$0x1F800] =	vst v63  }
0xa0: {  	_ =	swait.ge [sflag:s25], $0x2800  }
0xa1: {  	[sflag:s25] =	ssyncset.done $0x0  }
0xa2: {  	[sflag:s25] =	ssyncadd.s32 $0xFFFFD800  }
0xa3: {  	[hbm4b:s21+s4] =	stream.linear.scatter [tilespmem:s24], [sflag:$0x2], $0x2800, $0x38;
	[tilespmem:$0x1F800] =	vst v63  }
0xa4: {  	_ =	swait.ge [sflag:s25], $0x2800  }
0xa5: {  	[sflag:s25] =	ssyncset.done $0x0  }
0xa6: {  	[sflag:s25] =	ssyncadd.s32 $0xFFFFD800  }
0xa7: {  	[tilespmem:s24], [sflag:$0x2] =	stream.linear.gather [spmem:s12], $0x2800, $0x38;
	[tilespmem:$0x1F800] =	vst v63  }
0xa8: {  	s31 =	sadd.s32 $0x1, s31;
	_ =	swait.ge [sflag:s25], $0x2800  }
0xa9: {  	p0 =	sne.s32 s31, s23;
	[sflag:s25] =	ssyncset.done $0x0  }
.Ltmp2:
0xaa: {  	[sflag:s25] =	ssyncadd.s32 $0xFFFFD800;
	(pc) =	sbr.rel @p0 .LBB2_1-.Ltmp2, $4  }
0xab: {  	[hbm4b:s22+s4] =	stream.linear.scatter [tilespmem:s24], [sflag:$0x2], $0x2800, $0x38;
	[tilespmem:$0x1F800] =	vst v63  }
0xac: {  	_ =	swait.ge [sflag:s25], $0x2800  }
0xad: {  	[sflag:s25] =	ssyncset.done $0x0  }
0xae: {  	[sflag:s25] =	ssyncadd.s32 $0xFFFFD800  }
0xaf: {  	_ =	sfence.sel $0x180000  }
0xb0: {  	[bflag:$0x0] =	sbarrier.arrive $0xFFFF  }
0xb1: {  	_ =	strace $0x9000004A  }
0xb2: {  	s0 =	stileid.u32;
	[bflag:$0x2] =	sbarrier.arrive $0xFFFF  }
0xb3: {  	p0 =	sne.s32 s0, $0x0;
	s0 =	rddreg [dreg:$0x3]  }
0xb4: {  	s0 =	sadd.s32 @!p0 $0x100000, s0  }
0xb5: {  	[sflag:s0] =	ssyncadd.tile.s32 @!p0 $0x1;
	_ =	shalt  }
.Lfunc_end2:
_tile_overlayer_lowered:
.L_overlay_start_2:
0xb6: {  	(tag) =	ssettag $0x2  }
0xb7: {  	s0 =	rddreg [dreg:$0x0];
	s2 =	stileid.u32  }
0xb8: {  	s1 =	rddreg [dreg:$0x1];
	p0 =	sne.s32 s2, $0x0  }
0xb9: {  	s3 =	rddreg [dreg:$0x2];
	[bflag:$0x3] =	sbarrier.arrive $0xFFFF;
	s2 =	simm.s32 @!p0 $0x1C02  }
0xba: {  	[timem:s3], [sflag:s2] =	dma.local @!p0 [hbm:s0], s1  }
0xbb: {  	s0 =	simm.s32 @!p0 $0x2  }
0xbc: {  	_ =	swait.ge @!p0 [sflag:s0], s1  }
0xbd: {  	s1 =	ssub.s32 @!p0 $0x0, s1;
	[sflag:s0] =	ssyncset.done @!p0 $0x0  }
0xbe: {  	[sflag:s0] =	ssyncadd.s32 @!p0 s1  }
0xbf: {  	[bflag:$0x3] =	sbarrier.arrive $0xFFFF  }
0xc0: {  	_ =	shalt  }

// kernel: kernel.7.cloned.1.call-start
scs
__scs_entry_jumppad:
0x0: {  	(pc) =	sbr.rel $0x88, $3  }
0x1: {  	(tag) =	ssettag $0x0;
	lr =	simm.s32 $0x1  }
0x2: {  	[smem:$0x3F97] =	sst lr;
	_ =	strace $0xD0000000  }
0x3: {  	_ = 	snop  }
0x4: {  	_ = 	snop  }
0x5: {  	_ = 	snop  }
0x6: {  	_ = 	snop  }
0x7: {  	_ = 	snop  }
__scs_overlays_trampoline_lowered:
0x8: {  	[smem:$0x3FA6] =	sst s0  }
0x9: {  	[smem:$0x3FA7] =	sst s1  }
0xa: {  	[smem:$0x3FA8] =	sst s2  }
0xb: {  	[smem:$0x3FA9] =	sst s3  }
0xc: {  	[smem:$0x3FAA] =	sst s4  }
0xd: {  	[smem:$0x3FAB] =	sst s5  }
0xe: {  	[smem:$0x3FAC] =	sst s6  }
0xf: {  	[smem:$0x3FAD] =	sst s7  }
0x10: {  	[smem:$0x3FAE] =	sst s8  }
0x11: {  	[smem:$0x3FAF] =	sst s9;
	s0 =	simm.s32 @!p0 $0x0  }
0x12: {  	s1 =	sld [smem:$0x3F95];
	s0 =	simm.s32 @p0 $0x1  }
0x13: {  	[smem:$0x3FB0] =	sst s0;
	s0 =	simm.s32 @!p1 $0x0  }
0x14: {  	s2 =	sld [smem:$0x3F94];
	s0 =	simm.s32 @p1 $0x1  }
0x15: {  	[smem:$0x3FB1] =	sst s0;
	s0 =	simm.s32 @!p2 $0x0  }
0x16: {  	s3 =	sld [smem:$0x3FDB];
	s0 =	simm.s32 @p2 $0x1  }
0x17: {  	s4 =	simm.s32 $0x1BF5;
	[smem:$0x3FB3] =	sst s0  }
0x18: {  	s0 =	sld [smem:$0x3F96];
	_ =	swait.ge [sflag:s4], $0x0  }
0x19: {  	s7 =	sld [smem:$0x3F97]  }
0x1a: {  	s8 =	sadd.s32 $0xFFFFE003, lr  }
0x1b: {  	s9 =	sadd.s32 $0xFFFFFEF7, lr;
	s5 =	simm.s32 $0xFFFFFFFF;
	p2 =	slt.u32 s8, $0xFFFFF086  }
0x1c: {  	p1 =	slt.u32 s9, $0xF7A;
	s5 =	simm.s32 @!p2 $0x0  }
0x1d: {  	s5 =	simm.s32 @p1 $0x1;
	p0 =	seq.s32 s7, s2  }
0x1e: {  	s7 =	smul.u32 @!p0 $0xF7A, s2;
	p2 =	seq.s32 @!p0 s5, $0x0  }
0x1f: {  	s9 =	smul.u32 $0xF7A, s1;
	s8 =	simm.s32 @!p0 $0x1BF5;
	p2 =	por !p2, p0  }
0x20: {  	[sflag:s8] =	ssyncset.s32 @!p0 $0xFFFFF086;
	s6 =	sadd.s32 @!p0 s3, s7;
	s7 =	simm.s32 @!p0 $0x108  }
0x21: {  	s3 =	sadd.s32 s3, s9;
	s6 =	sadd.s32 @!p0 $0x88, s6;
	s7 =	simm.s32 @p2 $0x1082  }
0x22: {  	[simem:s7], [sflag:s8] =	dma.local @!p0 [hbm:s6], $0xF7A  }
0x23: {  	s9 =	sor.u32 $0xD0000000, s2;
	s6 =	simm.s32 $0x108;
	_ =	swait.ge @!p0 [sflag:s8], $0x0  }
0x24: {  	s3 =	sadd.s32 $0x88, s3;
	s6 =	simm.s32 @!p1 $0x1082;
	[sflag:s4] =	ssyncset.s32 $0xFFFFF086  }
0x25: {  	[simem:s6], [sflag:s4] =	dma.local [hbm:s3], $0xF7A  }
0x26: {  	[smem:$0x3F97] =	sst s1;
	(tag) =	ssettag s2;
	_ =	strace s9  }
0x27: {  	s1 =	sld [smem:$0x3FA7]  }
0x28: {  	s2 =	sld [smem:$0x3FA8]  }
0x29: {  	s4 =	sld [smem:$0x3FAA]  }
0x2a: {  	p0 =	seq.s32 s5, $0x0;
	s5 =	sld [smem:$0x3FAB]  }
0x2b: {  	s6 =	sld [smem:$0x3FAC]  }
0x2c: {  	s7 =	sld [smem:$0x3FAD]  }
0x2d: {  	s3 =	simm.s32 $0x108;
	s8 =	sld [smem:$0x3FAE]  }
0x2e: {  	s3 =	simm.s32 @!p0 $0x1082;
	s9 =	sld [smem:$0x3FAF]  }
0x2f: {  	lr =	sadd.s32 s0, s3;
	s0 =	sld [smem:$0x3FA6]  }
0x30: {  	s3 =	sld [smem:$0x3FA9]  }
0x31: {  	[smem:$0x3FB2] =	sst s10  }
0x32: {  	s10 =	sld [smem:$0x3FB0];
	_ =	sdelay $0x3  }
0x33: {  	p0 =	seq.s32 s10, $0x1;
	s10 =	sld [smem:$0x3FB2];
	_ =	sdelay $0x3  }
0x34: {  	[smem:$0x3FB2] =	sst s10  }
0x35: {  	s10 =	sld [smem:$0x3FB1];
	_ =	sdelay $0x3  }
0x36: {  	p1 =	seq.s32 s10, $0x1;
	s10 =	sld [smem:$0x3FB2];
	_ =	sdelay $0x3  }
0x37: {  	[smem:$0x3FB2] =	sst s10  }
0x38: {  	s10 =	sld [smem:$0x3FB3]  }
0x39: {  	_ = 	snop;
	(pc) =	sbr.ind lr, $3  }
0x3a: {  	_ = 	snop  }
0x3b: {  	_ = 	snop  }
0x3c: {  	p2 =	seq.s32 s10, $0x1;
	s10 =	sld [smem:$0x3FB2]  }
0x3d: {  	_ =	shalt  }
0x3e: {  	_ =	shalt  }
0x3f: {  	_ =	shalt  }
0x40: {  	_ =	shalt  }
0x41: {  	_ =	shalt  }
0x42: {  	_ =	shalt  }
0x43: {  	_ =	shalt  }
0x44: {  	_ =	shalt  }
0x45: {  	_ =	shalt  }
0x46: {  	_ =	shalt  }
0x47: {  	_ =	shalt  }
0x48: {  	_ =	shalt  }
0x49: {  	_ =	shalt  }
0x4a: {  	_ =	shalt  }
0x4b: {  	_ =	shalt  }
0x4c: {  	_ =	shalt  }
0x4d: {  	_ =	shalt  }
0x4e: {  	_ =	shalt  }
0x4f: {  	_ =	shalt  }
0x50: {  	_ =	shalt  }
0x51: {  	_ =	shalt  }
0x52: {  	_ =	shalt  }
0x53: {  	_ =	shalt  }
0x54: {  	_ =	shalt  }
0x55: {  	_ =	shalt  }
0x56: {  	_ =	shalt  }
0x57: {  	_ =	shalt  }
0x58: {  	_ =	shalt  }
0x59: {  	_ =	shalt  }
0x5a: {  	_ =	shalt  }
0x5b: {  	_ =	shalt  }
0x5c: {  	_ =	shalt  }
0x5d: {  	_ =	shalt  }
0x5e: {  	_ =	shalt  }
0x5f: {  	_ =	shalt  }
0x60: {  	_ =	shalt  }
0x61: {  	_ =	shalt  }
0x62: {  	_ =	shalt  }
0x63: {  	_ =	shalt  }
0x64: {  	_ =	shalt  }
0x65: {  	_ =	shalt  }
0x66: {  	_ =	shalt  }
0x67: {  	_ =	shalt  }
0x68: {  	_ =	shalt  }
0x69: {  	_ =	shalt  }
0x6a: {  	_ =	shalt  }
0x6b: {  	_ =	shalt  }
0x6c: {  	_ =	shalt  }
0x6d: {  	_ =	shalt  }
0x6e: {  	_ =	shalt  }
0x6f: {  	_ =	shalt  }
0x70: {  	_ =	shalt  }
0x71: {  	_ =	shalt  }
0x72: {  	_ =	shalt  }
0x73: {  	_ =	shalt  }
0x74: {  	_ =	shalt  }
0x75: {  	_ =	shalt  }
0x76: {  	_ =	shalt  }
0x77: {  	_ =	shalt  }
0x78: {  	_ =	shalt  }
0x79: {  	_ =	shalt  }
0x7a: {  	_ =	shalt  }
0x7b: {  	_ =	shalt  }
0x7c: {  	_ =	shalt  }
0x7d: {  	_ =	shalt  }
0x7e: {  	_ =	shalt  }
0x7f: {  	_ =	shalt  }
0x80: {  	_ =	shalt  }
0x81: {  	_ =	shalt  }
0x82: {  	_ =	shalt  }
0x83: {  	_ =	shalt  }
0x84: {  	_ =	shalt  }
0x85: {  	_ =	shalt  }
0x86: {  	_ =	shalt  }
0x87: {  	_ =	shalt  }
.Lfunc_end0:
.L_simem_size_0:
called_computation_lowered:
.L_overlay_start_0:
0x88: {  	s2 =	sld [smem:$0x3FD9]  }
0x89: {  	s3 =	sld [smem:$0x3FFE];
	_ =	sdelay $0x1  }
0x8a: {  	s1 =	srdreg.scid  }
0x8b: {  	s0 =	sand.u32 $0x1, s1  }
0x8c: {  	s14 =	sshll.u32 s0, $0xA;
	s2 =	sadd.s32 s3, s2  }
0x8d: {  	s2 =	sadd.s32 s2, s14  }
0x8e: {  	[smem:$0x3FBE] =	sst s2  }
0x8f: {  	_ = 	snop  }
0x90: {  	s2 =	sld [smem:$0x3FD0];
	_ =	sdelay $0x2  }
0x91: {  	s15 =	simm.s32 $0xA;
	s4 =	simm.s32 $0x10  }
0x92: {  	[smem:s4], [sflag:s15] =	dma.local [hbm:s2], $0x1  }
0x93: {  	_ =	swait.eq [sflag:s15], $0x1  }
0x94: {  	[sflag:s15] =	ssyncset.done $0x0  }
0x95: {  	[sflag:s15] =	ssyncadd.s32 $0xFFFFFFFF  }
0x96: {  	s16 =	sld [smem:$0x10];
	(tm) =	ssettm $0x1  }
0x97: {  	s17 =	sld [smem:$0x3FFB];
	_ =	sdelay $0x3  }
0x98: {  	_ =	strace s17  }
0x99: {  	s3 =	sld [smem:$0x3FFC];
	_ =	sdelay $0x3  }
0x9a: {  	_ =	strace s3  }
0x9b: {  	s3 =	sld [smem:$0x3FFD];
	_ =	sdelay $0x3  }
0x9c: {  	_ =	strace s3  }
0x9d: {  	_ =	strace $0x8FFFFFFF  }
0x9e: {  	s18 =	sld [smem:$0x3FDB];
	_ =	sdelay $0x1  }
0x9f: {  	s19 =	simm.s32 $_scs_section_size  }
0xa0: {  	s5 =	simm.s32 $_size__tile_overlayer_lowered;
	s6 =	simm.s32 $_tile_overlayer_lowered  }
0xa1: {  	s22 =	simm.s32 $0x1BFF;
	s21 =	sshll.u32 s6, $0x1;
	s3 =	sadd.s32 s19, s18  }
0xa2: {  	s7 =	simm.s32 $0x0;
	s20 =	sshll.u32 s5, $0x1;
	s5 =	sadd.s32 s21, s3  }
0xa3: {  	[timem:s7], [sflag:s22] =	dma.local [hbm:s5], s20  }
0xa4: {  	_ =	swait.ge [sflag:s22], s20  }
0xa5: {  	s4 =	ssub.s32 $0x0, s20;
	[sflag:s22] =	ssyncset.done $0x0  }
0xa6: {  	[sflag:s22] =	ssyncadd.s32 s4;
	_ =	sdelay $0x1  }
0xa7: {  	s23 =	simm.s32 $0x1B8B  }
0xa8: {  	_ =	swait.ge [sflag:s23], $0x1  }
0xa9: {  	[sflag:s23] =	ssyncset.done $0x0  }
0xaa: {  	s25 =	simm.s32 $0x1B8E;
	s24 =	sld [smem:$0x3FFE];
	[sflag:s23] =	ssyncadd.s32 $0xFFFFFFFF  }
0xab: {  	s26 =	simm.s32 $execute0_lowered;
	[smem:$0x3FD2] =	sst s25  }
0xac: {  	s5 =	sshll.u32 s26, $0x1;
	_ =	strace $0x80000046;
	[dreg:$0x1] =	wrdreg $0xFFFFFFFF  }
0xad: {  	s28 =	simm.s32 $_size_execute0_lowered;
	s3 =	sadd.s32 s3, s5;
	[dreg:$0x0] =	wrdreg $0x0  }
0xae: {  	s5 =	sshll.u32 s28, $0x1;
	[dreg:$0x2] =	wrdreg s3  }
0xaf: {  	[dreg:$0x3] =	wrdreg s5  }
0xb0: {  	[dreg:$0x4] =	wrdreg $0xC0  }
0xb1: {  	_ =	task [dreg:s7], $0x5FFFF  }
0xb2: {  	[dreg:$0x1] =	wrdreg $0xFFFFFFFF  }
0xb3: {  	[dreg:$0x0] =	wrdreg $0x60  }
0xb4: {  	[dreg:$0x2] =	wrdreg s24  }
0xb5: {  	[dreg:$0x3] =	wrdreg s16  }
0xb6: {  	[dreg:$0x4] =	wrdreg $0x2B000  }
0xb7: {  	[dreg:$0x5] =	wrdreg $0x9  }
0xb8: {  	_ =	task.clear_ibuf [dreg:s7], $0x6FFFF;
	_ =	strace $0x90000046  }
0xb9: {  	s29 =	simm.s32 $0x9;
	_ =	strace $0x80000048  }
0xba: {  	_ =	swait.ge [sflag:s29], $0x1  }
0xbb: {  	[sflag:s29] =	ssyncadd.s32 $0xFFFFFFFF  }
0xbc: {  	_ =	strace $0x90000048  }
0xbd: {  	_ =	sfence  }
0xbe: {  	s30 =	sld [smem:$0x0];
	_ =	sdelay $0x2  }
0xbf: {  	s31 =	sshll.u32 s1, $0xD;
	s1 =	sshrl.u32 s1, $0x2  }
0xc0: {  	s3 =	sand.u32 $0x4000, s31;
	s1 =	sadd.s32 s1, s30  }
0xc1: {  	s0 =	sor.u32 s3, s0;
	s1 =	sshll.u32 s1, $0x11  }
0xc2: {  	s0 =	sor.u32 s1, s0  }
0xc3: {  	s0 =	sadd.s32 $0x8F2B, s0  }
0xc4: {  	[sflag:s0] =	ssyncadd.remote.s32 $0x1  }
0xc5: {  	_ =	sfence.sel $0xFFFF  }
0xc6: {  	[dreg:$0x0] =	wrdreg $0xFFFFFFFF;
	(pc) =	sbr.abs _section_cstart, $3  }
0xc7: {  	[dreg:$0x1] =	wrdreg $0xFFFFFFFF  }
0xc8: {  	_ =	task.clear_ibuf [dreg:s7], $0x2FFFF;
	_ =	strace $0x9FFFFFFF  }
0xc9: {  	(tm) =	ssettm $0x7FFFFFFF  }
tec
execute0_lowered:
.L_overlay_start_1:
0x0: {  	(tag) =	ssettag $0x1  }
0x1: {  	s4 =	rddreg [dreg:$0x0]  }
0x2: {  	s0 =	srdreg.scid;
	s6 =	rddreg [dreg:$0x1]  }
0x3: {  	s2 =	rddreg [dreg:$0x2];
	s3 =	simm.s32 $0x0;
	s11 =	simm.s32 $0x2800  }
0x4: {  	s12 =	simm.s32 $0x100;
	s5 =	sand.u32 $0x1, s0;
	s0 =	stileid.u32  }
0x5: {  	s13 =	simm.s32 $0x0;
	[smem:$0x7FF] =	sst s3;
	s8 =	smul.u32 $0xA00, s0  }
0x6: {  	s1 =	sshll.u32 s5, $0x4;
	s9 =	smul.u32 $0x500, s0;
	s29 =	ssub.s32 $0x2, s5  }
0x7: {  	s5 =	sshll.u32 s5, $0x7;
	s7 =	sor.u32 s0, s1;
	s1 =	rddreg [dreg:$0x3]  }
0x8: {  	_ =	strace $0x80000047;
	s10 =	sshrl.u32 s29, $0x1;
	s7 =	smul.u32 $0x500, s7  }
0x9: {  	s8 =	sshrl.u32 s8, $0x2;
	s5 =	sor.u32 s5, s9;
	s30 =	ssub.s32 s29, s10  }
0xa: {  	s9 =	simm.s32 $0x1;
	s10 =	simm.s32 $0x80;
	s31 =	sshrl.u32 s5, $0x3  }
0xb: {  	s7 =	sadd.s32 s7, s4;
	s4 =	sadd.s32 s8, s2;
	s6 =	sadd.s32 s6, s31  }
0xc: {  	v0 =	vimm.f32 $1.000000000e+00;
	v1 =	vimm.f32 $0.0e+00;
	s8 =	simm.s32 $0x2880;
	s5 =	sadd.s32 $0x2800, s7;
	s7 =	smax.u32 s30, $0x1  }
.LBB2_1:
0xd: {  	[tilespmem:$0x2800] =	vst v0  }
0xe: {  	[tilespmem:$0x2810] =	vst v0  }
0xf: {  	[tilespmem:$0x2820] =	vst v0  }
0x10: {  	[tilespmem:$0x2830] =	vst v0  }
0x11: {  	[tilespmem:$0x2840] =	vst v0  }
0x12: {  	[tilespmem:$0x2850] =	vst v0  }
0x13: {  	[tilespmem:$0x2860] =	vst v0  }
0x14: {  	[tilespmem:$0x2870] =	vst v0  }
0x15: {  	[tilespmem:$0x2880] =	vst v1  }
0x16: {  	[tilespmem:$0x2890] =	vst v1  }
0x17: {  	[tilespmem:$0x28A0] =	vst v1  }
0x18: {  	[tilespmem:$0x28B0] =	vst v1  }
0x19: {  	[tilespmem:$0x28C0] =	vst v1  }
0x1a: {  	[tilespmem:$0x28D0] =	vst v1  }
0x1b: {  	[tilespmem:$0x28E0] =	vst v1  }
0x1c: {  	[tilespmem:$0x28F0] =	vst v1  }
0x1d: {  	[tilespmem:$0x2900] =	vst v1  }
0x1e: {  	[tilespmem:$0x2910] =	vst v1  }
0x1f: {  	[tilespmem:$0x2920] =	vst v1  }
0x20: {  	[tilespmem:$0x2930] =	vst v1  }
0x21: {  	[tilespmem:$0x2940] =	vst v1  }
0x22: {  	[tilespmem:$0x2950] =	vst v1  }
0x23: {  	[tilespmem:$0x2960] =	vst v1  }
0x24: {  	[tilespmem:$0x2970] =	vst v1  }
0x25: {  	[tilespmem:$0x2980] =	vst v1  }
0x26: {  	[tilespmem:$0x2990] =	vst v1  }
0x27: {  	[tilespmem:$0x29A0] =	vst v1  }
0x28: {  	[tilespmem:$0x29B0] =	vst v1  }
0x29: {  	[tilespmem:$0x29C0] =	vst v1  }
0x2a: {  	[tilespmem:$0x29D0] =	vst v1  }
0x2b: {  	[tilespmem:$0x29E0] =	vst v1  }
0x2c: {  	[tilespmem:$0x29F0] =	vst v1  }
0x2d: {  	[tilespmem:$0x2A00] =	vst v1  }
0x2e: {  	[tilespmem:$0x2A10] =	vst v1  }
0x2f: {  	[tilespmem:$0x2A20] =	vst v1  }
0x30: {  	[tilespmem:$0x2A30] =	vst v1  }
0x31: {  	[tilespmem:$0x2A40] =	vst v1  }
0x32: {  	[tilespmem:$0x2A50] =	vst v1  }
0x33: {  	[tilespmem:$0x2A60] =	vst v1  }
0x34: {  	[tilespmem:$0x2A70] =	vst v1  }
0x35: {  	[tilespmem:$0x2A80] =	vst v1  }
0x36: {  	[tilespmem:$0x2A90] =	vst v1  }
0x37: {  	[tilespmem:$0x2AA0] =	vst v1  }
0x38: {  	[tilespmem:$0x2AB0] =	vst v1  }
0x39: {  	[tilespmem:$0x2AC0] =	vst v1  }
0x3a: {  	[tilespmem:$0x2AD0] =	vst v1  }
0x3b: {  	[tilespmem:$0x2AE0] =	vst v1  }
0x3c: {  	[tilespmem:$0x2AF0] =	vst v1  }
0x3d: {  	[spmem:s4] =	stream.linear.scatter [tilespmem:s8], [sflag:$0x1], $0x280, $0x38;
	[tilespmem:$0x2D80] =	vst v63  }
0x3e: {  	_ =	swait.ge [sflag:s9], $0x280  }
0x3f: {  	[sflag:s9] =	ssyncset.done $0x0  }
0x40: {  	[sflag:s9] =	ssyncadd.s32 $0xFFFFFD80  }
0x41: {  	[bflag:$0x0] =	sbarrier.arrive $0xFFFF  }
0x42: {  	[tilespmem:s3], [sflag:$0x1] =	stream.linear.gather [hbm4b:s5+s3], $0x2780, $0x38;
	[tilespmem:$0x2D80] =	vst v63  }
0x43: {  	_ =	swait.ge [sflag:s9], $0x2780  }
0x44: {  	[sflag:s9] =	ssyncset.done $0x0  }
0x45: {  	s14 =	simm.s32 $0x0;
	[sflag:s9] =	ssyncadd.s32 $0xFFFFD880  }
0x46: {  	[spmem:s2] =	stream.indirect.scatter.add.f32 [tilespmem:s11], [sflag:$0x1], $0x1, s14, s10, $0xb8;
	[tilespmem:$0x2D80] =	vst v63  }
0x47: {  	_ =	swait.ge [sflag:s9], $0x80  }
0x48: {  	s14 =	simm.s32 $0x200;
	[sflag:s9] =	ssyncset.done $0x0  }
.LBB2_2:
0x49: {  	s15 =	sshra.s32 s14, $0x2;
	[sflag:s9] =	ssyncadd.s32 $0xFFFFFF80;
	p0 =	sne.s32 s14, $0x9C00  }
0x4a: {  	[spmem:s2] =	stream.indirect.scatter.add.f32 [tilespmem:s11], [sflag:$0x1], $0x1, s15, s10, $0xb8;
	[tilespmem:$0x2D80] =	vst v63  }
.Ltmp0:
0x4b: {  	_ = 	snop;
	(pc) =	sbr.rel @p0 .LBB2_2-.Ltmp0, $4  }
0x4c: {  	_ = 	snop  }
0x4d: {  	s14 =	sadd.s32 $0x200, s14  }
0x4e: {  	_ =	swait.ge [sflag:s9], $0x80  }
0x4f: {  	[sflag:s9] =	ssyncset.done $0x0  }
0x50: {  	[sflag:s9] =	ssyncadd.s32 $0xFFFFFF80  }
0x51: {  	[bflag:$0x0] =	sbarrier.arrive $0xFFFF  }
0x52: {  	[tilespmem:s8], [sflag:$0x1] =	stream.linear.gather [spmem:s4], $0x280, $0x38;
	[tilespmem:$0x2D80] =	vst v63  }
0x53: {  	s13 =	sadd.s32 $0x1, s13;
	_ =	swait.ge [sflag:s9], $0x280  }
0x54: {  	p0 =	sne.s32 s13, s7;
	[sflag:s9] =	ssyncset.done $0x0  }
.Ltmp1:
0x55: {  	[sflag:s9] =	ssyncadd.s32 $0xFFFFFD80;
	(pc) =	sbr.rel @p0 .LBB2_1-.Ltmp1, $4  }
0x56: {  	[hbm4b:s6+s10] =	stream.strided.scatter [tilespmem:s8], [sflag:$0x1], $0x280, s12, s10, $0x38;
	[tilespmem:$0x2D80] =	vst v63  }
0x57: {  	_ =	swait.ge [sflag:s9], $0x280  }
0x58: {  	[sflag:s9] =	ssyncset.done $0x0  }
0x59: {  	[sflag:s9] =	ssyncadd.s32 $0xFFFFFD80  }
0x5a: {  	_ =	sfence.sel $0x180000  }
0x5b: {  	[bflag:$0x0] =	sbarrier.arrive $0xFFFF  }
0x5c: {  	p0 =	sne.s32 s0, $0x0;
	_ =	strace $0x90000047  }
0x5d: {  	s0 =	sadd.s32 @!p0 $0x100000, s1;
	[bflag:$0x2] =	sbarrier.arrive $0xFFFF  }
0x5e: {  	[sflag:s0] =	ssyncadd.tile.s32 @!p0 $0x1;
	_ =	shalt  }
.Lfunc_end2:
_tile_overlayer_lowered:
.L_overlay_start_2:
0x5f: {  	(tag) =	ssettag $0x2  }
0x60: {  	s0 =	rddreg [dreg:$0x0];
	s2 =	stileid.u32  }
0x61: {  	s1 =	rddreg [dreg:$0x1];
	p0 =	sne.s32 s2, $0x0  }
0x62: {  	s3 =	rddreg [dreg:$0x2];
	[bflag:$0x3] =	sbarrier.arrive $0xFFFF;
	s2 =	simm.s32 @!p0 $0x1C01  }
0x63: {  	[timem:s3], [sflag:s2] =	dma.local @!p0 [hbm:s0], s1  }
0x64: {  	s0 =	simm.s32 @!p0 $0x1  }
0x65: {  	_ =	swait.ge @!p0 [sflag:s0], s1  }
0x66: {  	s1 =	ssub.s32 @!p0 $0x0, s1;
	[sflag:s0] =	ssyncset.done @!p0 $0x0  }
0x67: {  	[sflag:s0] =	ssyncadd.s32 @!p0 s1  }
0x68: {  	[bflag:$0x3] =	sbarrier.arrive $0xFFFF  }
0x69: {  	_ =	shalt  }

</sc_bundles>
